<compile_context>
chip_gen: v7x
topology: tpu7x:2x2x1
jax: 0.10.2.dev20260603
libtpu: 0.0.44.dev20260713+nightly
codegen_flags: <defaults>
</compile_context>

<pallas_src>
import functools

import jax
import jax.numpy as jnp
from jax import lax
from jax.experimental import pallas as pl
from jax.experimental.pallas import tpu as pltpu
from jax.experimental.pallas import tpu_sc as plsc

_NC = 2
_NS = 16
_NW = _NC * _NS


def _make_segsum(N, H, E, EB, Np):
    e_per_w = E // _NW
    n_chunks = e_per_w // EB
    assert e_per_w * _NW == E and n_chunks * EB == e_per_w
    rows_per_tile = Np // _NS
    assert rows_per_tile * _NS == Np and rows_per_tile % 8 == 0 and Np >= N

    mesh = plsc.VectorSubcoreMesh(core_axis_name="c", subcore_axis_name="s")

    NBUF = 5
    assert n_chunks % NBUF == 0

    @functools.partial(
        pl.kernel,
        mesh=mesh,
        compiler_params=pltpu.CompilerParams(use_tc_tiling_on_sc=False),
        out_type=jax.ShapeDtypeStruct((_NC * Np, H), jnp.float32),
        scratch_types=[
            pltpu.VMEM((n_chunks, EB), jnp.int32),
            pltpu.VMEM((n_chunks, EB), jnp.int32),
            [pltpu.VMEM((EB, H), jnp.float32) for _ in range(NBUF)],
            pltpu.VMEM_SHARED((Np, H), jnp.float32),
            [pltpu.SemaphoreType.DMA for _ in range(NBUF)],
        ],
    )
    def seg(y_hbm, src_hbm, dst_hbm, zero_hbm, out_hbm,
            src_v, dst_v, rows_bufs, acc_sh, sems):
        cid = lax.axis_index("c")
        sid = lax.axis_index("s")
        wid = sid * _NC + cid

        idx_cp0 = pltpu.async_copy(src_hbm.at[wid], src_v, sems[0])
        idx_cp1 = pltpu.async_copy(dst_hbm.at[wid], dst_v, sems[1])

        r0 = sid * rows_per_tile
        pltpu.sync_copy(zero_hbm.at[pl.ds(r0, rows_per_tile)],
                        acc_sh.at[pl.ds(r0, rows_per_tile)])
        idx_cp0.wait()
        idx_cp1.wait()
        plsc.subcore_barrier()

        def gather(c, b):
            return pltpu.async_copy(y_hbm.at[src_v.at[c]], rows_bufs[b],
                                    sems[b])

        def gather_wait(c, b):
            pltpu.make_async_copy(y_hbm.at[src_v.at[c]], rows_bufs[b],
                                  sems[b]).wait()

        for b in range(NBUF - 1):
            gather(b, b)

        def body(i, carry):
            c0 = i * NBUF
            for b in range(NBUF):
                c = c0 + b
                nxt = c + NBUF - 1

                @pl.when(nxt < n_chunks)
                def _():
                    gather(nxt, (b + NBUF - 1) % NBUF)

                gather_wait(c, b)
                pltpu.sync_copy(rows_bufs[b], acc_sh.at[dst_v.at[c]],
                                add=True)
            return carry

        lax.fori_loop(0, n_chunks // NBUF, body, 0, unroll=False)

        plsc.subcore_barrier()
        pltpu.sync_copy(acc_sh.at[pl.ds(r0, rows_per_tile)],
                        out_hbm.at[pl.ds(cid * Np + r0, rows_per_tile)])

    return seg


def _d1_body(x_ref, w_ref, o_ref):
    o_ref[...] = jnp.dot(x_ref[...], w_ref[...],
                         preferred_element_type=jnp.float32)


def _d2_body(y_ref, p_ref, b1a_ref, w1b_ref, b1b_ref, w2a_ref, o_ref):
    g = y_ref[...] + p_ref[0] + p_ref[1] + b1a_ref[...]
    r = jnp.maximum(g, 0.0)
    c1 = jnp.dot(r, w1b_ref[...], preferred_element_type=jnp.float32)
    h1 = jnp.maximum(c1 + b1b_ref[...], 0.0)
    o_ref[...] = jnp.dot(h1, w2a_ref[...], preferred_element_type=jnp.float32)


def _d3_body(y_ref, p_ref, b2a_ref, w2b_ref, b2b_ref, wf_ref, bf_ref, o_ref):
    g = y_ref[...] + p_ref[0] + p_ref[1] + b2a_ref[...]
    r = jnp.maximum(g, 0.0)
    c2 = jnp.dot(r, w2b_ref[...], preferred_element_type=jnp.float32)
    h2 = jnp.maximum(c2 + b2b_ref[...], 0.0)
    o = jnp.dot(h2, wf_ref[...], preferred_element_type=jnp.float32) + bf_ref[...]
    m = jnp.max(o, axis=1, keepdims=True)
    s = o - m
    lse = jnp.log(jnp.sum(jnp.exp(s), axis=1, keepdims=True))
    o_ref[...] = s - lse


def kernel(x, edge_index, W1a, b1a, W1b, b1b, W2a, b2a, W2b, b2b, Wf, bf):
    N, D = x.shape
    H = W1a.shape[0]
    C = Wf.shape[0]
    E = edge_index.shape[1]

    EB = 80
    e_per_w = E // _NW
    n_chunks = e_per_w // EB

    Np = ((N + 8 * _NS - 1) // (8 * _NS)) * (8 * _NS)
    srcr = edge_index[0].reshape(_NW, n_chunks, EB)
    dstr = edge_index[1].reshape(_NW, n_chunks, EB)
    zeros = jnp.zeros((Np, H), jnp.float32)
    segsum = _make_segsum(N, H, E, EB, Np)

    f32 = jnp.float32
    d1 = pl.pallas_call(_d1_body,
                        out_shape=jax.ShapeDtypeStruct((N, H), f32))
    d2 = pl.pallas_call(_d2_body,
                        out_shape=jax.ShapeDtypeStruct((N, H), f32))
    d3 = pl.pallas_call(_d3_body,
                        out_shape=jax.ShapeDtypeStruct((N, C), f32))

    y1 = d1(x, W1a.T)
    p1 = segsum(y1, srcr, dstr, zeros).reshape(_NC, Np, H)[:, :N, :]
    y2 = d2(y1, p1, b1a.reshape(1, H), W1b.T, b1b.reshape(1, H), W2a.T)
    p2 = segsum(y2, srcr, dstr, zeros).reshape(_NC, Np, H)[:, :N, :]
    out = d3(y2, p2, b2a.reshape(1, H), W2b.T, b2b.reshape(1, H), Wf.T,
             bf.reshape(1, C))
    return out

# --- scband reference (transcript-rebuilt; emitter-appended) ---
"""Pipeline reference for scband-gin-21260088115449 (READ-ONLY COPY).

The authoritative reference and input builder live on the scoring server;
editing this copy changes nothing except your own understanding.
"""

import jax, jax.numpy as jnp
import numpy as np

N = 10000
E = 320000
D = 128
H = 64
C = 64


def setup_inputs(seed: int = 0) -> dict:
    key = jax.random.key(seed)
    ks = jax.random.split(key, 12)
    x = jax.random.normal(ks[0], (N, D), dtype=jnp.float32)
    edge_index = jax.random.randint(ks[1], (2, E), 0, N, dtype=jnp.int32)
    W1a = jax.random.normal(ks[2], (H, D), dtype=jnp.float32) * (1.0 / np.sqrt(D))
    b1a = jnp.zeros((H,), dtype=jnp.float32)
    W1b = jax.random.normal(ks[3], (H, H), dtype=jnp.float32) * (1.0 / np.sqrt(H))
    b1b = jnp.zeros((H,), dtype=jnp.float32)
    W2a = jax.random.normal(ks[4], (H, H), dtype=jnp.float32) * (1.0 / np.sqrt(H))
    b2a = jnp.zeros((H,), dtype=jnp.float32)
    W2b = jax.random.normal(ks[5], (H, H), dtype=jnp.float32) * (1.0 / np.sqrt(H))
    b2b = jnp.zeros((H,), dtype=jnp.float32)
    Wf = jax.random.normal(ks[6], (C, H), dtype=jnp.float32) * (1.0 / np.sqrt(H))
    bf = jnp.zeros((C,), dtype=jnp.float32)
    return {"x": x, "edge_index": edge_index, "W1a": W1a, "b1a": b1a, "W1b": W1b, "b1b": b1b, "W2a": W2a, "b2a": b2a, "W2b": W2b, "b2b": b2b, "Wf": Wf, "bf": bf}


def _gin_conv(x, edge_index, Wa, ba, Wb, bb):
    # GINConv (eps=0): out = nn((1+eps)*x + sum_{j in N(i)} x_j)
    src = edge_index[0]
    dst = edge_index[1]
    agg = jax.ops.segment_sum(jnp.take(x, src, axis=0), dst, num_segments=x.shape[0])
    h = x + agg
    h = h @ Wa.T + ba
    h = jax.nn.relu(h)
    h = h @ Wb.T + bb
    return h


def reference(x, edge_index, W1a, b1a, W1b, b1b, W2a, b2a, W2b, b2b, Wf, bf):
    h = _gin_conv(x, edge_index, W1a, b1a, W1b, b1b)
    h = jax.nn.relu(h)
    # dropout is identity in eval mode
    h = _gin_conv(h, edge_index, W2a, b2a, W2b, b2b)
    h = jax.nn.relu(h)
    h = h @ Wf.T + bf
    return jax.nn.log_softmax(h, axis=1)

if __name__ == "__main__":
    import jax
    _d = setup_inputs()
    print(jax.jit(kernel)(*tuple(_d.values())))

</pallas_src>

<mosaic_0001>
#map = affine_map<(d0, d1) -> (0, 0)>
#map1 = affine_map<(d0, d1) -> (0, 0, 0)>
module attributes {stable_mosaic.version = 14 : i64} {
  func.func @seg(%arg0: i32, %arg1: i32, %arg2: memref<10000x64xf32, #tpu.memory_space<hbm>>, %arg3: memref<32x125x80xi32, #tpu.memory_space<hbm>>, %arg4: memref<32x125x80xi32, #tpu.memory_space<hbm>>, %arg5: memref<10112x64xf32, #tpu.memory_space<hbm>>, %arg6: memref<20224x64xf32, #tpu.memory_space<hbm>>, %arg7: memref<125x80xi32, #tpu.memory_space<vmem>>, %arg8: memref<125x80xi32, #tpu.memory_space<vmem>>, %arg9: memref<80x64xf32, #tpu.memory_space<vmem>>, %arg10: memref<80x64xf32, #tpu.memory_space<vmem>>, %arg11: memref<80x64xf32, #tpu.memory_space<vmem>>, %arg12: memref<80x64xf32, #tpu.memory_space<vmem>>, %arg13: memref<80x64xf32, #tpu.memory_space<vmem>>, %arg14: memref<10112x64xf32, #tpu.memory_space<vmem_shared>>, %arg15: memref<!tpu.dma_semaphore, #tpu.memory_space<semaphore_mem>>, %arg16: memref<!tpu.dma_semaphore, #tpu.memory_space<semaphore_mem>>, %arg17: memref<!tpu.dma_semaphore, #tpu.memory_space<semaphore_mem>>, %arg18: memref<!tpu.dma_semaphore, #tpu.memory_space<semaphore_mem>>, %arg19: memref<!tpu.dma_semaphore, #tpu.memory_space<semaphore_mem>>) attributes {dimension_semantics = [#tpu.dimension_semantics<core_parallel>, #tpu.dimension_semantics<subcore_parallel>], iteration_bounds = array<i64: 2, 16>, scalar_prefetch = 0 : i64, scratch_operands = 13 : i64, tpu.core_type = #tpu.core_type<sc_vector_subcore>, window_params = [{transform_indices = #map}, {transform_indices = #map1}, {transform_indices = #map1}, {transform_indices = #map}, {transform_indices = #map}]} {
    %mul3A = arith.constant 2 : i32
    %mul3A_0 = arith.muli %arg1, %mul3A : i32
    %add3A = arith.addi %mul3A_0, %arg0 : i32
    %dma_start3A = arith.constant 0 : i32
    %dma_start3A_1 = arith.constant 0 : i32
    %dma_start3A_2 = tpu.memref_slice %arg3[%add3A, %dma_start3A, %dma_start3A_1] : memref<32x125x80xi32, #tpu.memory_space<hbm>> -> memref<1x125x80xi32, #tpu.memory_space<hbm>>
    %dma_start3A_3 = tpu.memref_squeeze %dma_start3A_2 : memref<1x125x80xi32, #tpu.memory_space<hbm>> -> memref<125x80xi32, #tpu.memory_space<hbm>>
    %dma_start3A_4 = arith.constant 0 : i32
    %dma_start3A_5 = arith.constant 0 : i32
    %dma_start3A_6 = tpu.memref_slice %arg3[%add3A, %dma_start3A_4, %dma_start3A_5] : memref<32x125x80xi32, #tpu.memory_space<hbm>> -> memref<1x125x80xi32, #tpu.memory_space<hbm>>
    %dma_start3A_7 = tpu.memref_squeeze %dma_start3A_6 : memref<1x125x80xi32, #tpu.memory_space<hbm>> -> memref<125x80xi32, #tpu.memory_space<hbm>>
    tpu.enqueue_dma source(%dma_start3A_7 : memref<125x80xi32, #tpu.memory_space<hbm>>) target(%arg7 : memref<125x80xi32, #tpu.memory_space<vmem>>) target_semaphore(%arg15 : memref<!tpu.dma_semaphore, #tpu.memory_space<semaphore_mem>>)
    %dma_start3A_8 = arith.constant 0 : i32
    %dma_start3A_9 = arith.constant 0 : i32
    %dma_start3A_10 = tpu.memref_slice %arg4[%add3A, %dma_start3A_8, %dma_start3A_9] : memref<32x125x80xi32, #tpu.memory_space<hbm>> -> memref<1x125x80xi32, #tpu.memory_space<hbm>>
    %dma_start3A_11 = tpu.memref_squeeze %dma_start3A_10 : memref<1x125x80xi32, #tpu.memory_space<hbm>> -> memref<125x80xi32, #tpu.memory_space<hbm>>
    %dma_start3A_12 = arith.constant 0 : i32
    %dma_start3A_13 = arith.constant 0 : i32
    %dma_start3A_14 = tpu.memref_slice %arg4[%add3A, %dma_start3A_12, %dma_start3A_13] : memref<32x125x80xi32, #tpu.memory_space<hbm>> -> memref<1x125x80xi32, #tpu.memory_space<hbm>>
    %dma_start3A_15 = tpu.memref_squeeze %dma_start3A_14 : memref<1x125x80xi32, #tpu.memory_space<hbm>> -> memref<125x80xi32, #tpu.memory_space<hbm>>
    tpu.enqueue_dma source(%dma_start3A_15 : memref<125x80xi32, #tpu.memory_space<hbm>>) target(%arg8 : memref<125x80xi32, #tpu.memory_space<vmem>>) target_semaphore(%arg16 : memref<!tpu.dma_semaphore, #tpu.memory_space<semaphore_mem>>)
    %mul3A_16 = arith.constant 632 : i32
    %mul3A_17 = arith.muli %arg1, %mul3A_16 : i32
    "tpu.region"() ({
      %run_scoped3A = tpu.sem_alloc : memref<!tpu.dma_semaphore, #tpu.memory_space<semaphore_mem>>
      %dma_start3A_70 = arith.constant 0 : i32
      %dma_start3A_71 = tpu.memref_slice %arg14[%mul3A_17, %dma_start3A_70] : memref<10112x64xf32, #tpu.memory_space<vmem_shared>> -> memref<632x64xf32, #tpu.memory_space<vmem_shared>>
      %dma_start3A_72 = arith.constant 0 : i32
      %dma_start3A_73 = tpu.memref_slice %arg5[%mul3A_17, %dma_start3A_72] : memref<10112x64xf32, #tpu.memory_space<hbm>> -> memref<632x64xf32, #tpu.memory_space<hbm>>
      tpu.enqueue_dma source(%dma_start3A_73 : memref<632x64xf32, #tpu.memory_space<hbm>>) target(%dma_start3A_71 : memref<632x64xf32, #tpu.memory_space<vmem_shared>>) target_semaphore(%run_scoped3A : memref<!tpu.dma_semaphore, #tpu.memory_space<semaphore_mem>>)
      %dma_wait3A_74 = arith.constant 0 : i32
      %dma_wait3A_75 = tpu.memref_slice %arg14[%mul3A_17, %dma_wait3A_74] : memref<10112x64xf32, #tpu.memory_space<vmem_shared>> -> memref<632x64xf32, #tpu.memory_space<vmem_shared>>
      %dma_wait3A_76 = arith.constant 0 : i32
      %dma_wait3A_77 = tpu.memref_slice %arg5[%mul3A_17, %dma_wait3A_76] : memref<10112x64xf32, #tpu.memory_space<hbm>> -> memref<632x64xf32, #tpu.memory_space<hbm>>
      tpu.wait_dma2 semaphore(%run_scoped3A : memref<!tpu.dma_semaphore, #tpu.memory_space<semaphore_mem>>) src(%dma_wait3A_77 : memref<632x64xf32, #tpu.memory_space<hbm>>) dst(%dma_wait3A_75 : memref<632x64xf32, #tpu.memory_space<vmem_shared>>)
      tpu.yield
    }) : () -> ()
    %dma_wait3A = arith.constant 0 : i32
    %dma_wait3A_18 = arith.constant 0 : i32
    %dma_wait3A_19 = tpu.memref_slice %arg3[%add3A, %dma_wait3A, %dma_wait3A_18] : memref<32x125x80xi32, #tpu.memory_space<hbm>> -> memref<1x125x80xi32, #tpu.memory_space<hbm>>
    %dma_wait3A_20 = tpu.memref_squeeze %dma_wait3A_19 : memref<1x125x80xi32, #tpu.memory_space<hbm>> -> memref<125x80xi32, #tpu.memory_space<hbm>>
    %dma_wait3A_21 = arith.constant 0 : i32
    %dma_wait3A_22 = arith.constant 0 : i32
    %dma_wait3A_23 = tpu.memref_slice %arg3[%add3A, %dma_wait3A_21, %dma_wait3A_22] : memref<32x125x80xi32, #tpu.memory_space<hbm>> -> memref<1x125x80xi32, #tpu.memory_space<hbm>>
    %dma_wait3A_24 = tpu.memref_squeeze %dma_wait3A_23 : memref<1x125x80xi32, #tpu.memory_space<hbm>> -> memref<125x80xi32, #tpu.memory_space<hbm>>
    tpu.wait_dma2 semaphore(%arg15 : memref<!tpu.dma_semaphore, #tpu.memory_space<semaphore_mem>>) src(%dma_wait3A_24 : memref<125x80xi32, #tpu.memory_space<hbm>>) dst(%arg7 : memref<125x80xi32, #tpu.memory_space<vmem>>)
    %dma_wait3A_25 = arith.constant 0 : i32
    %dma_wait3A_26 = arith.constant 0 : i32
    %dma_wait3A_27 = tpu.memref_slice %arg4[%add3A, %dma_wait3A_25, %dma_wait3A_26] : memref<32x125x80xi32, #tpu.memory_space<hbm>> -> memref<1x125x80xi32, #tpu.memory_space<hbm>>
    %dma_wait3A_28 = tpu.memref_squeeze %dma_wait3A_27 : memref<1x125x80xi32, #tpu.memory_space<hbm>> -> memref<125x80xi32, #tpu.memory_space<hbm>>
    %dma_wait3A_29 = arith.constant 0 : i32
    %dma_wait3A_30 = arith.constant 0 : i32
    %dma_wait3A_31 = tpu.memref_slice %arg4[%add3A, %dma_wait3A_29, %dma_wait3A_30] : memref<32x125x80xi32, #tpu.memory_space<hbm>> -> memref<1x125x80xi32, #tpu.memory_space<hbm>>
    %dma_wait3A_32 = tpu.memref_squeeze %dma_wait3A_31 : memref<1x125x80xi32, #tpu.memory_space<hbm>> -> memref<125x80xi32, #tpu.memory_space<hbm>>
    tpu.wait_dma2 semaphore(%arg16 : memref<!tpu.dma_semaphore, #tpu.memory_space<semaphore_mem>>) src(%dma_wait3A_32 : memref<125x80xi32, #tpu.memory_space<hbm>>) dst(%arg8 : memref<125x80xi32, #tpu.memory_space<vmem>>)
    %barrier3A = arith.constant 0 : index
    tpu.barrier barrier_id(%barrier3A)
    %dma_start3A_33 = arith.constant 0 : i32
    %dma_start3A_34 = arith.constant 0 : i32
    %dma_start3A_35 = tpu.memref_slice %arg7[%dma_start3A_33, %dma_start3A_34] : memref<125x80xi32, #tpu.memory_space<vmem>> -> memref<1x80xi32, #tpu.memory_space<vmem>>
    %dma_start3A_36 = tpu.memref_squeeze %dma_start3A_35 : memref<1x80xi32, #tpu.memory_space<vmem>> -> memref<80xi32, #tpu.memory_space<vmem>>
    %dma_start3A_37 = arith.constant 0 : i32
    %dma_start3A_38 = arith.constant 0 : i32
    %dma_start3A_39 = tpu.memref_slice %arg2[%dma_start3A_37, %dma_start3A_38] : memref<10000x64xf32, #tpu.memory_space<hbm>> -> memref<10000x64xf32, #tpu.memory_space<hbm>>
    tpu.enqueue_indirect_dma source(%dma_start3A_39 : memref<10000x64xf32, #tpu.memory_space<hbm>>) target(%arg9 : memref<80x64xf32, #tpu.memory_space<vmem>>) offsets(%dma_start3A_36 : memref<80xi32, #tpu.memory_space<vmem>>) semaphore(%arg15 : memref<!tpu.dma_semaphore, #tpu.memory_space<semaphore_mem>>)
    %dma_start3A_40 = arith.constant 1 : i32
    %dma_start3A_41 = arith.constant 0 : i32
    %dma_start3A_42 = tpu.memref_slice %arg7[%dma_start3A_40, %dma_start3A_41] : memref<125x80xi32, #tpu.memory_space<vmem>> -> memref<1x80xi32, #tpu.memory_space<vmem>>
    %dma_start3A_43 = tpu.memref_squeeze %dma_start3A_42 : memref<1x80xi32, #tpu.memory_space<vmem>> -> memref<80xi32, #tpu.memory_space<vmem>>
    %dma_start3A_44 = arith.constant 0 : i32
    %dma_start3A_45 = arith.constant 0 : i32
    %dma_start3A_46 = tpu.memref_slice %arg2[%dma_start3A_44, %dma_start3A_45] : memref<10000x64xf32, #tpu.memory_space<hbm>> -> memref<10000x64xf32, #tpu.memory_space<hbm>>
    tpu.enqueue_indirect_dma source(%dma_start3A_46 : memref<10000x64xf32, #tpu.memory_space<hbm>>) target(%arg10 : memref<80x64xf32, #tpu.memory_space<vmem>>) offsets(%dma_start3A_43 : memref<80xi32, #tpu.memory_space<vmem>>) semaphore(%arg16 : memref<!tpu.dma_semaphore, #tpu.memory_space<semaphore_mem>>)
    %dma_start3A_47 = arith.constant 2 : i32
    %dma_start3A_48 = arith.constant 0 : i32
    %dma_start3A_49 = tpu.memref_slice %arg7[%dma_start3A_47, %dma_start3A_48] : memref<125x80xi32, #tpu.memory_space<vmem>> -> memref<1x80xi32, #tpu.memory_space<vmem>>
    %dma_start3A_50 = tpu.memref_squeeze %dma_start3A_49 : memref<1x80xi32, #tpu.memory_space<vmem>> -> memref<80xi32, #tpu.memory_space<vmem>>
    %dma_start3A_51 = arith.constant 0 : i32
    %dma_start3A_52 = arith.constant 0 : i32
    %dma_start3A_53 = tpu.memref_slice %arg2[%dma_start3A_51, %dma_start3A_52] : memref<10000x64xf32, #tpu.memory_space<hbm>> -> memref<10000x64xf32, #tpu.memory_space<hbm>>
    tpu.enqueue_indirect_dma source(%dma_start3A_53 : memref<10000x64xf32, #tpu.memory_space<hbm>>) target(%arg11 : memref<80x64xf32, #tpu.memory_space<vmem>>) offsets(%dma_start3A_50 : memref<80xi32, #tpu.memory_space<vmem>>) semaphore(%arg17 : memref<!tpu.dma_semaphore, #tpu.memory_space<semaphore_mem>>)
    %dma_start3A_54 = arith.constant 3 : i32
    %dma_start3A_55 = arith.constant 0 : i32
    %dma_start3A_56 = tpu.memref_slice %arg7[%dma_start3A_54, %dma_start3A_55] : memref<125x80xi32, #tpu.memory_space<vmem>> -> memref<1x80xi32, #tpu.memory_space<vmem>>
    %dma_start3A_57 = tpu.memref_squeeze %dma_start3A_56 : memref<1x80xi32, #tpu.memory_space<vmem>> -> memref<80xi32, #tpu.memory_space<vmem>>
    %dma_start3A_58 = arith.constant 0 : i32
    %dma_start3A_59 = arith.constant 0 : i32
    %dma_start3A_60 = tpu.memref_slice %arg2[%dma_start3A_58, %dma_start3A_59] : memref<10000x64xf32, #tpu.memory_space<hbm>> -> memref<10000x64xf32, #tpu.memory_space<hbm>>
    tpu.enqueue_indirect_dma source(%dma_start3A_60 : memref<10000x64xf32, #tpu.memory_space<hbm>>) target(%arg12 : memref<80x64xf32, #tpu.memory_space<vmem>>) offsets(%dma_start3A_57 : memref<80xi32, #tpu.memory_space<vmem>>) semaphore(%arg18 : memref<!tpu.dma_semaphore, #tpu.memory_space<semaphore_mem>>)
    %scan3A = arith.constant 0 : i32
    %scan3A_61 = arith.constant 0 : i32
    %scan3A_62 = arith.constant 25 : i32
    %scan3A_63 = arith.addi %scan3A_61, %scan3A_62 : i32
    %scan3A_64 = arith.constant 1 : i32
    scf.for %scan3A_70 = %scan3A_61 to %scan3A_63 step %scan3A_64  : i32 {
      %mul3A_71 = arith.constant 5 : i32
      %mul3A_72 = arith.muli %scan3A_70, %mul3A_71 : i32
      %add3A_73 = arith.constant 0 : i32
      %add3A_74 = arith.addi %mul3A_72, %add3A_73 : i32
      %add3A_75 = arith.constant 5 : i32
      %add3A_76 = arith.addi %add3A_74, %add3A_75 : i32
      %sub3A = arith.constant 1 : i32
      %sub3A_77 = arith.subi %add3A_76, %sub3A : i32
      %lt3A = arith.constant 125 : i32
      %lt3A_78 = arith.cmpi slt, %sub3A_77, %lt3A : i32
      %convert_element_type3A = arith.extui %lt3A_78 : i1 to i32
      %cond3A = arith.constant 0 : i32
      %cond3A_79 = arith.cmpi ne, %convert_element_type3A, %cond3A : i32
      scf.if %cond3A_79 {
        %dma_start3A_154 = arith.constant 0 : i32
        %dma_start3A_155 = tpu.memref_slice %arg7[%sub3A_77, %dma_start3A_154] : memref<125x80xi32, #tpu.memory_space<vmem>> -> memref<1x80xi32, #tpu.memory_space<vmem>>
        %dma_start3A_156 = tpu.memref_squeeze %dma_start3A_155 : memref<1x80xi32, #tpu.memory_space<vmem>> -> memref<80xi32, #tpu.memory_space<vmem>>
        %dma_start3A_157 = arith.constant 0 : i32
        %dma_start3A_158 = arith.constant 0 : i32
        %dma_start3A_159 = tpu.memref_slice %arg2[%dma_start3A_157, %dma_start3A_158] : memref<10000x64xf32, #tpu.memory_space<hbm>> -> memref<10000x64xf32, #tpu.memory_space<hbm>>
        tpu.enqueue_indirect_dma source(%dma_start3A_159 : memref<10000x64xf32, #tpu.memory_space<hbm>>) target(%arg13 : memref<80x64xf32, #tpu.memory_space<vmem>>) offsets(%dma_start3A_156 : memref<80xi32, #tpu.memory_space<vmem>>) semaphore(%arg19 : memref<!tpu.dma_semaphore, #tpu.memory_space<semaphore_mem>>)
      } else {
      }
      %dma_wait3A_80 = arith.constant 0 : i32
      %dma_wait3A_81 = tpu.memref_slice %arg7[%add3A_74, %dma_wait3A_80] : memref<125x80xi32, #tpu.memory_space<vmem>> -> memref<1x80xi32, #tpu.memory_space<vmem>>
      %dma_wait3A_82 = tpu.memref_squeeze %dma_wait3A_81 : memref<1x80xi32, #tpu.memory_space<vmem>> -> memref<80xi32, #tpu.memory_space<vmem>>
      %dma_wait3A_83 = arith.constant 0 : i32
      %dma_wait3A_84 = arith.constant 0 : i32
      %dma_wait3A_85 = tpu.memref_slice %arg2[%dma_wait3A_83, %dma_wait3A_84] : memref<10000x64xf32, #tpu.memory_space<hbm>> -> memref<10000x64xf32, #tpu.memory_space<hbm>>
      tpu.wait_indirect_dma semaphore(%arg15 : memref<!tpu.dma_semaphore, #tpu.memory_space<semaphore_mem>>) src(%dma_wait3A_85 : memref<10000x64xf32, #tpu.memory_space<hbm>>) dst(%arg9 : memref<80x64xf32, #tpu.memory_space<vmem>>)
      "tpu.region"() ({
        %run_scoped3A = tpu.sem_alloc : memref<!tpu.dma_semaphore, #tpu.memory_space<semaphore_mem>>
        %dma_start3A_154 = arith.constant 0 : i32
        %dma_start3A_155 = tpu.memref_slice %arg8[%add3A_74, %dma_start3A_154] : memref<125x80xi32, #tpu.memory_space<vmem>> -> memref<1x80xi32, #tpu.memory_space<vmem>>
        %dma_start3A_156 = tpu.memref_squeeze %dma_start3A_155 : memref<1x80xi32, #tpu.memory_space<vmem>> -> memref<80xi32, #tpu.memory_space<vmem>>
        %dma_start3A_157 = arith.constant 0 : i32
        %dma_start3A_158 = arith.constant 0 : i32
        %dma_start3A_159 = tpu.memref_slice %arg14[%dma_start3A_157, %dma_start3A_158] : memref<10112x64xf32, #tpu.memory_space<vmem_shared>> -> memref<10112x64xf32, #tpu.memory_space<vmem_shared>>
        tpu.enqueue_indirect_dma source(%arg9 : memref<80x64xf32, #tpu.memory_space<vmem>>) target(%dma_start3A_159 : memref<10112x64xf32, #tpu.memory_space<vmem_shared>>) offsets(%dma_start3A_156 : memref<80xi32, #tpu.memory_space<vmem>>) semaphore(%run_scoped3A : memref<!tpu.dma_semaphore, #tpu.memory_space<semaphore_mem>>) {add = true}
        %dma_wait3A_160 = arith.constant 0 : i32
        %dma_wait3A_161 = tpu.memref_slice %arg8[%add3A_74, %dma_wait3A_160] : memref<125x80xi32, #tpu.memory_space<vmem>> -> memref<1x80xi32, #tpu.memory_space<vmem>>
        %dma_wait3A_162 = tpu.memref_squeeze %dma_wait3A_161 : memref<1x80xi32, #tpu.memory_space<vmem>> -> memref<80xi32, #tpu.memory_space<vmem>>
        %dma_wait3A_163 = arith.constant 0 : i32
        %dma_wait3A_164 = arith.constant 0 : i32
        %dma_wait3A_165 = tpu.memref_slice %arg14[%dma_wait3A_163, %dma_wait3A_164] : memref<10112x64xf32, #tpu.memory_space<vmem_shared>> -> memref<10112x64xf32, #tpu.memory_space<vmem_shared>>
        tpu.wait_indirect_dma semaphore(%run_scoped3A : memref<!tpu.dma_semaphore, #tpu.memory_space<semaphore_mem>>) src(%arg9 : memref<80x64xf32, #tpu.memory_space<vmem>>) dst(%dma_wait3A_165 : memref<10112x64xf32, #tpu.memory_space<vmem_shared>>)
        tpu.yield
      }) : () -> ()
      %add3A_86 = arith.constant 1 : i32
      %add3A_87 = arith.addi %mul3A_72, %add3A_86 : i32
      %add3A_88 = arith.constant 5 : i32
      %add3A_89 = arith.addi %add3A_87, %add3A_88 : i32
      %sub3A_90 = arith.constant 1 : i32
      %sub3A_91 = arith.subi %add3A_89, %sub3A_90 : i32
      %lt3A_92 = arith.constant 125 : i32
      %lt3A_93 = arith.cmpi slt, %sub3A_91, %lt3A_92 : i32
      %convert_element_type3A_94 = arith.extui %lt3A_93 : i1 to i32
      %cond3A_95 = arith.constant 0 : i32
      %cond3A_96 = arith.cmpi ne, %convert_element_type3A_94, %cond3A_95 : i32
      scf.if %cond3A_96 {
        %dma_start3A_154 = arith.constant 0 : i32
        %dma_start3A_155 = tpu.memref_slice %arg7[%sub3A_91, %dma_start3A_154] : memref<125x80xi32, #tpu.memory_space<vmem>> -> memref<1x80xi32, #tpu.memory_space<vmem>>
        %dma_start3A_156 = tpu.memref_squeeze %dma_start3A_155 : memref<1x80xi32, #tpu.memory_space<vmem>> -> memref<80xi32, #tpu.memory_space<vmem>>
        %dma_start3A_157 = arith.constant 0 : i32
        %dma_start3A_158 = arith.constant 0 : i32
        %dma_start3A_159 = tpu.memref_slice %arg2[%dma_start3A_157, %dma_start3A_158] : memref<10000x64xf32, #tpu.memory_space<hbm>> -> memref<10000x64xf32, #tpu.memory_space<hbm>>
        tpu.enqueue_indirect_dma source(%dma_start3A_159 : memref<10000x64xf32, #tpu.memory_space<hbm>>) target(%arg9 : memref<80x64xf32, #tpu.memory_space<vmem>>) offsets(%dma_start3A_156 : memref<80xi32, #tpu.memory_space<vmem>>) semaphore(%arg15 : memref<!tpu.dma_semaphore, #tpu.memory_space<semaphore_mem>>)
      } else {
      }
      %dma_wait3A_97 = arith.constant 0 : i32
      %dma_wait3A_98 = tpu.memref_slice %arg7[%add3A_87, %dma_wait3A_97] : memref<125x80xi32, #tpu.memory_space<vmem>> -> memref<1x80xi32, #tpu.memory_space<vmem>>
      %dma_wait3A_99 = tpu.memref_squeeze %dma_wait3A_98 : memref<1x80xi32, #tpu.memory_space<vmem>> -> memref<80xi32, #tpu.memory_space<vmem>>
      %dma_wait3A_100 = arith.constant 0 : i32
      %dma_wait3A_101 = arith.constant 0 : i32
      %dma_wait3A_102 = tpu.memref_slice %arg2[%dma_wait3A_100, %dma_wait3A_101] : memref<10000x64xf32, #tpu.memory_space<hbm>> -> memref<10000x64xf32, #tpu.memory_space<hbm>>
      tpu.wait_indirect_dma semaphore(%arg16 : memref<!tpu.dma_semaphore, #tpu.memory_space<semaphore_mem>>) src(%dma_wait3A_102 : memref<10000x64xf32, #tpu.memory_space<hbm>>) dst(%arg10 : memref<80x64xf32, #tpu.memory_space<vmem>>)
      "tpu.region"() ({
        %run_scoped3A = tpu.sem_alloc : memref<!tpu.dma_semaphore, #tpu.memory_space<semaphore_mem>>
        %dma_start3A_154 = arith.constant 0 : i32
        %dma_start3A_155 = tpu.memref_slice %arg8[%add3A_87, %dma_start3A_154] : memref<125x80xi32, #tpu.memory_space<vmem>> -> memref<1x80xi32, #tpu.memory_space<vmem>>
        %dma_start3A_156 = tpu.memref_squeeze %dma_start3A_155 : memref<1x80xi32, #tpu.memory_space<vmem>> -> memref<80xi32, #tpu.memory_space<vmem>>
        %dma_start3A_157 = arith.constant 0 : i32
        %dma_start3A_158 = arith.constant 0 : i32
        %dma_start3A_159 = tpu.memref_slice %arg14[%dma_start3A_157, %dma_start3A_158] : memref<10112x64xf32, #tpu.memory_space<vmem_shared>> -> memref<10112x64xf32, #tpu.memory_space<vmem_shared>>
        tpu.enqueue_indirect_dma source(%arg10 : memref<80x64xf32, #tpu.memory_space<vmem>>) target(%dma_start3A_159 : memref<10112x64xf32, #tpu.memory_space<vmem_shared>>) offsets(%dma_start3A_156 : memref<80xi32, #tpu.memory_space<vmem>>) semaphore(%run_scoped3A : memref<!tpu.dma_semaphore, #tpu.memory_space<semaphore_mem>>) {add = true}
        %dma_wait3A_160 = arith.constant 0 : i32
        %dma_wait3A_161 = tpu.memref_slice %arg8[%add3A_87, %dma_wait3A_160] : memref<125x80xi32, #tpu.memory_space<vmem>> -> memref<1x80xi32, #tpu.memory_space<vmem>>
        %dma_wait3A_162 = tpu.memref_squeeze %dma_wait3A_161 : memref<1x80xi32, #tpu.memory_space<vmem>> -> memref<80xi32, #tpu.memory_space<vmem>>
        %dma_wait3A_163 = arith.constant 0 : i32
        %dma_wait3A_164 = arith.constant 0 : i32
        %dma_wait3A_165 = tpu.memref_slice %arg14[%dma_wait3A_163, %dma_wait3A_164] : memref<10112x64xf32, #tpu.memory_space<vmem_shared>> -> memref<10112x64xf32, #tpu.memory_space<vmem_shared>>
        tpu.wait_indirect_dma semaphore(%run_scoped3A : memref<!tpu.dma_semaphore, #tpu.memory_space<semaphore_mem>>) src(%arg10 : memref<80x64xf32, #tpu.memory_space<vmem>>) dst(%dma_wait3A_165 : memref<10112x64xf32, #tpu.memory_space<vmem_shared>>)
        tpu.yield
      }) : () -> ()
      %add3A_103 = arith.constant 2 : i32
      %add3A_104 = arith.addi %mul3A_72, %add3A_103 : i32
      %add3A_105 = arith.constant 5 : i32
      %add3A_106 = arith.addi %add3A_104, %add3A_105 : i32
      %sub3A_107 = arith.constant 1 : i32
      %sub3A_108 = arith.subi %add3A_106, %sub3A_107 : i32
      %lt3A_109 = arith.constant 125 : i32
      %lt3A_110 = arith.cmpi slt, %sub3A_108, %lt3A_109 : i32
      %convert_element_type3A_111 = arith.extui %lt3A_110 : i1 to i32
      %cond3A_112 = arith.constant 0 : i32
      %cond3A_113 = arith.cmpi ne, %convert_element_type3A_111, %cond3A_112 : i32
      scf.if %cond3A_113 {
        %dma_start3A_154 = arith.constant 0 : i32
        %dma_start3A_155 = tpu.memref_slice %arg7[%sub3A_108, %dma_start3A_154] : memref<125x80xi32, #tpu.memory_space<vmem>> -> memref<1x80xi32, #tpu.memory_space<vmem>>
        %dma_start3A_156 = tpu.memref_squeeze %dma_start3A_155 : memref<1x80xi32, #tpu.memory_space<vmem>> -> memref<80xi32, #tpu.memory_space<vmem>>
        %dma_start3A_157 = arith.constant 0 : i32
        %dma_start3A_158 = arith.constant 0 : i32
        %dma_start3A_159 = tpu.memref_slice %arg2[%dma_start3A_157, %dma_start3A_158] : memref<10000x64xf32, #tpu.memory_space<hbm>> -> memref<10000x64xf32, #tpu.memory_space<hbm>>
        tpu.enqueue_indirect_dma source(%dma_start3A_159 : memref<10000x64xf32, #tpu.memory_space<hbm>>) target(%arg10 : memref<80x64xf32, #tpu.memory_space<vmem>>) offsets(%dma_start3A_156 : memref<80xi32, #tpu.memory_space<vmem>>) semaphore(%arg16 : memref<!tpu.dma_semaphore, #tpu.memory_space<semaphore_mem>>)
      } else {
      }
      %dma_wait3A_114 = arith.constant 0 : i32
      %dma_wait3A_115 = tpu.memref_slice %arg7[%add3A_104, %dma_wait3A_114] : memref<125x80xi32, #tpu.memory_space<vmem>> -> memref<1x80xi32, #tpu.memory_space<vmem>>
      %dma_wait3A_116 = tpu.memref_squeeze %dma_wait3A_115 : memref<1x80xi32, #tpu.memory_space<vmem>> -> memref<80xi32, #tpu.memory_space<vmem>>
      %dma_wait3A_117 = arith.constant 0 : i32
      %dma_wait3A_118 = arith.constant 0 : i32
      %dma_wait3A_119 = tpu.memref_slice %arg2[%dma_wait3A_117, %dma_wait3A_118] : memref<10000x64xf32, #tpu.memory_space<hbm>> -> memref<10000x64xf32, #tpu.memory_space<hbm>>
      tpu.wait_indirect_dma semaphore(%arg17 : memref<!tpu.dma_semaphore, #tpu.memory_space<semaphore_mem>>) src(%dma_wait3A_119 : memref<10000x64xf32, #tpu.memory_space<hbm>>) dst(%arg11 : memref<80x64xf32, #tpu.memory_space<vmem>>)
      "tpu.region"() ({
        %run_scoped3A = tpu.sem_alloc : memref<!tpu.dma_semaphore, #tpu.memory_space<semaphore_mem>>
        %dma_start3A_154 = arith.constant 0 : i32
        %dma_start3A_155 = tpu.memref_slice %arg8[%add3A_104, %dma_start3A_154] : memref<125x80xi32, #tpu.memory_space<vmem>> -> memref<1x80xi32, #tpu.memory_space<vmem>>
        %dma_start3A_156 = tpu.memref_squeeze %dma_start3A_155 : memref<1x80xi32, #tpu.memory_space<vmem>> -> memref<80xi32, #tpu.memory_space<vmem>>
        %dma_start3A_157 = arith.constant 0 : i32
        %dma_start3A_158 = arith.constant 0 : i32
        %dma_start3A_159 = tpu.memref_slice %arg14[%dma_start3A_157, %dma_start3A_158] : memref<10112x64xf32, #tpu.memory_space<vmem_shared>> -> memref<10112x64xf32, #tpu.memory_space<vmem_shared>>
        tpu.enqueue_indirect_dma source(%arg11 : memref<80x64xf32, #tpu.memory_space<vmem>>) target(%dma_start3A_159 : memref<10112x64xf32, #tpu.memory_space<vmem_shared>>) offsets(%dma_start3A_156 : memref<80xi32, #tpu.memory_space<vmem>>) semaphore(%run_scoped3A : memref<!tpu.dma_semaphore, #tpu.memory_space<semaphore_mem>>) {add = true}
        %dma_wait3A_160 = arith.constant 0 : i32
        %dma_wait3A_161 = tpu.memref_slice %arg8[%add3A_104, %dma_wait3A_160] : memref<125x80xi32, #tpu.memory_space<vmem>> -> memref<1x80xi32, #tpu.memory_space<vmem>>
        %dma_wait3A_162 = tpu.memref_squeeze %dma_wait3A_161 : memref<1x80xi32, #tpu.memory_space<vmem>> -> memref<80xi32, #tpu.memory_space<vmem>>
        %dma_wait3A_163 = arith.constant 0 : i32
        %dma_wait3A_164 = arith.constant 0 : i32
        %dma_wait3A_165 = tpu.memref_slice %arg14[%dma_wait3A_163, %dma_wait3A_164] : memref<10112x64xf32, #tpu.memory_space<vmem_shared>> -> memref<10112x64xf32, #tpu.memory_space<vmem_shared>>
        tpu.wait_indirect_dma semaphore(%run_scoped3A : memref<!tpu.dma_semaphore, #tpu.memory_space<semaphore_mem>>) src(%arg11 : memref<80x64xf32, #tpu.memory_space<vmem>>) dst(%dma_wait3A_165 : memref<10112x64xf32, #tpu.memory_space<vmem_shared>>)
        tpu.yield
      }) : () -> ()
      %add3A_120 = arith.constant 3 : i32
      %add3A_121 = arith.addi %mul3A_72, %add3A_120 : i32
      %add3A_122 = arith.constant 5 : i32
      %add3A_123 = arith.addi %add3A_121, %add3A_122 : i32
      %sub3A_124 = arith.constant 1 : i32
      %sub3A_125 = arith.subi %add3A_123, %sub3A_124 : i32
      %lt3A_126 = arith.constant 125 : i32
      %lt3A_127 = arith.cmpi slt, %sub3A_125, %lt3A_126 : i32
      %convert_element_type3A_128 = arith.extui %lt3A_127 : i1 to i32
      %cond3A_129 = arith.constant 0 : i32
      %cond3A_130 = arith.cmpi ne, %convert_element_type3A_128, %cond3A_129 : i32
      scf.if %cond3A_130 {
        %dma_start3A_154 = arith.constant 0 : i32
        %dma_start3A_155 = tpu.memref_slice %arg7[%sub3A_125, %dma_start3A_154] : memref<125x80xi32, #tpu.memory_space<vmem>> -> memref<1x80xi32, #tpu.memory_space<vmem>>
        %dma_start3A_156 = tpu.memref_squeeze %dma_start3A_155 : memref<1x80xi32, #tpu.memory_space<vmem>> -> memref<80xi32, #tpu.memory_space<vmem>>
        %dma_start3A_157 = arith.constant 0 : i32
        %dma_start3A_158 = arith.constant 0 : i32
        %dma_start3A_159 = tpu.memref_slice %arg2[%dma_start3A_157, %dma_start3A_158] : memref<10000x64xf32, #tpu.memory_space<hbm>> -> memref<10000x64xf32, #tpu.memory_space<hbm>>
        tpu.enqueue_indirect_dma source(%dma_start3A_159 : memref<10000x64xf32, #tpu.memory_space<hbm>>) target(%arg11 : memref<80x64xf32, #tpu.memory_space<vmem>>) offsets(%dma_start3A_156 : memref<80xi32, #tpu.memory_space<vmem>>) semaphore(%arg17 : memref<!tpu.dma_semaphore, #tpu.memory_space<semaphore_mem>>)
      } else {
      }
      %dma_wait3A_131 = arith.constant 0 : i32
      %dma_wait3A_132 = tpu.memref_slice %arg7[%add3A_121, %dma_wait3A_131] : memref<125x80xi32, #tpu.memory_space<vmem>> -> memref<1x80xi32, #tpu.memory_space<vmem>>
      %dma_wait3A_133 = tpu.memref_squeeze %dma_wait3A_132 : memref<1x80xi32, #tpu.memory_space<vmem>> -> memref<80xi32, #tpu.memory_space<vmem>>
      %dma_wait3A_134 = arith.constant 0 : i32
      %dma_wait3A_135 = arith.constant 0 : i32
      %dma_wait3A_136 = tpu.memref_slice %arg2[%dma_wait3A_134, %dma_wait3A_135] : memref<10000x64xf32, #tpu.memory_space<hbm>> -> memref<10000x64xf32, #tpu.memory_space<hbm>>
      tpu.wait_indirect_dma semaphore(%arg18 : memref<!tpu.dma_semaphore, #tpu.memory_space<semaphore_mem>>) src(%dma_wait3A_136 : memref<10000x64xf32, #tpu.memory_space<hbm>>) dst(%arg12 : memref<80x64xf32, #tpu.memory_space<vmem>>)
      "tpu.region"() ({
        %run_scoped3A = tpu.sem_alloc : memref<!tpu.dma_semaphore, #tpu.memory_space<semaphore_mem>>
        %dma_start3A_154 = arith.constant 0 : i32
        %dma_start3A_155 = tpu.memref_slice %arg8[%add3A_121, %dma_start3A_154] : memref<125x80xi32, #tpu.memory_space<vmem>> -> memref<1x80xi32, #tpu.memory_space<vmem>>
        %dma_start3A_156 = tpu.memref_squeeze %dma_start3A_155 : memref<1x80xi32, #tpu.memory_space<vmem>> -> memref<80xi32, #tpu.memory_space<vmem>>
        %dma_start3A_157 = arith.constant 0 : i32
        %dma_start3A_158 = arith.constant 0 : i32
        %dma_start3A_159 = tpu.memref_slice %arg14[%dma_start3A_157, %dma_start3A_158] : memref<10112x64xf32, #tpu.memory_space<vmem_shared>> -> memref<10112x64xf32, #tpu.memory_space<vmem_shared>>
        tpu.enqueue_indirect_dma source(%arg12 : memref<80x64xf32, #tpu.memory_space<vmem>>) target(%dma_start3A_159 : memref<10112x64xf32, #tpu.memory_space<vmem_shared>>) offsets(%dma_start3A_156 : memref<80xi32, #tpu.memory_space<vmem>>) semaphore(%run_scoped3A : memref<!tpu.dma_semaphore, #tpu.memory_space<semaphore_mem>>) {add = true}
        %dma_wait3A_160 = arith.constant 0 : i32
        %dma_wait3A_161 = tpu.memref_slice %arg8[%add3A_121, %dma_wait3A_160] : memref<125x80xi32, #tpu.memory_space<vmem>> -> memref<1x80xi32, #tpu.memory_space<vmem>>
        %dma_wait3A_162 = tpu.memref_squeeze %dma_wait3A_161 : memref<1x80xi32, #tpu.memory_space<vmem>> -> memref<80xi32, #tpu.memory_space<vmem>>
        %dma_wait3A_163 = arith.constant 0 : i32
        %dma_wait3A_164 = arith.constant 0 : i32
        %dma_wait3A_165 = tpu.memref_slice %arg14[%dma_wait3A_163, %dma_wait3A_164] : memref<10112x64xf32, #tpu.memory_space<vmem_shared>> -> memref<10112x64xf32, #tpu.memory_space<vmem_shared>>
        tpu.wait_indirect_dma semaphore(%run_scoped3A : memref<!tpu.dma_semaphore, #tpu.memory_space<semaphore_mem>>) src(%arg12 : memref<80x64xf32, #tpu.memory_space<vmem>>) dst(%dma_wait3A_165 : memref<10112x64xf32, #tpu.memory_space<vmem_shared>>)
        tpu.yield
      }) : () -> ()
      %add3A_137 = arith.constant 4 : i32
      %add3A_138 = arith.addi %mul3A_72, %add3A_137 : i32
      %add3A_139 = arith.constant 5 : i32
      %add3A_140 = arith.addi %add3A_138, %add3A_139 : i32
      %sub3A_141 = arith.constant 1 : i32
      %sub3A_142 = arith.subi %add3A_140, %sub3A_141 : i32
      %lt3A_143 = arith.constant 125 : i32
      %lt3A_144 = arith.cmpi slt, %sub3A_142, %lt3A_143 : i32
      %convert_element_type3A_145 = arith.extui %lt3A_144 : i1 to i32
      %cond3A_146 = arith.constant 0 : i32
      %cond3A_147 = arith.cmpi ne, %convert_element_type3A_145, %cond3A_146 : i32
      scf.if %cond3A_147 {
        %dma_start3A_154 = arith.constant 0 : i32
        %dma_start3A_155 = tpu.memref_slice %arg7[%sub3A_142, %dma_start3A_154] : memref<125x80xi32, #tpu.memory_space<vmem>> -> memref<1x80xi32, #tpu.memory_space<vmem>>
        %dma_start3A_156 = tpu.memref_squeeze %dma_start3A_155 : memref<1x80xi32, #tpu.memory_space<vmem>> -> memref<80xi32, #tpu.memory_space<vmem>>
        %dma_start3A_157 = arith.constant 0 : i32
        %dma_start3A_158 = arith.constant 0 : i32
        %dma_start3A_159 = tpu.memref_slice %arg2[%dma_start3A_157, %dma_start3A_158] : memref<10000x64xf32, #tpu.memory_space<hbm>> -> memref<10000x64xf32, #tpu.memory_space<hbm>>
        tpu.enqueue_indirect_dma source(%dma_start3A_159 : memref<10000x64xf32, #tpu.memory_space<hbm>>) target(%arg12 : memref<80x64xf32, #tpu.memory_space<vmem>>) offsets(%dma_start3A_156 : memref<80xi32, #tpu.memory_space<vmem>>) semaphore(%arg18 : memref<!tpu.dma_semaphore, #tpu.memory_space<semaphore_mem>>)
      } else {
      }
      %dma_wait3A_148 = arith.constant 0 : i32
      %dma_wait3A_149 = tpu.memref_slice %arg7[%add3A_138, %dma_wait3A_148] : memref<125x80xi32, #tpu.memory_space<vmem>> -> memref<1x80xi32, #tpu.memory_space<vmem>>
      %dma_wait3A_150 = tpu.memref_squeeze %dma_wait3A_149 : memref<1x80xi32, #tpu.memory_space<vmem>> -> memref<80xi32, #tpu.memory_space<vmem>>
      %dma_wait3A_151 = arith.constant 0 : i32
      %dma_wait3A_152 = arith.constant 0 : i32
      %dma_wait3A_153 = tpu.memref_slice %arg2[%dma_wait3A_151, %dma_wait3A_152] : memref<10000x64xf32, #tpu.memory_space<hbm>> -> memref<10000x64xf32, #tpu.memory_space<hbm>>
      tpu.wait_indirect_dma semaphore(%arg19 : memref<!tpu.dma_semaphore, #tpu.memory_space<semaphore_mem>>) src(%dma_wait3A_153 : memref<10000x64xf32, #tpu.memory_space<hbm>>) dst(%arg13 : memref<80x64xf32, #tpu.memory_space<vmem>>)
      "tpu.region"() ({
        %run_scoped3A = tpu.sem_alloc : memref<!tpu.dma_semaphore, #tpu.memory_space<semaphore_mem>>
        %dma_start3A_154 = arith.constant 0 : i32
        %dma_start3A_155 = tpu.memref_slice %arg8[%add3A_138, %dma_start3A_154] : memref<125x80xi32, #tpu.memory_space<vmem>> -> memref<1x80xi32, #tpu.memory_space<vmem>>
        %dma_start3A_156 = tpu.memref_squeeze %dma_start3A_155 : memref<1x80xi32, #tpu.memory_space<vmem>> -> memref<80xi32, #tpu.memory_space<vmem>>
        %dma_start3A_157 = arith.constant 0 : i32
        %dma_start3A_158 = arith.constant 0 : i32
        %dma_start3A_159 = tpu.memref_slice %arg14[%dma_start3A_157, %dma_start3A_158] : memref<10112x64xf32, #tpu.memory_space<vmem_shared>> -> memref<10112x64xf32, #tpu.memory_space<vmem_shared>>
        tpu.enqueue_indirect_dma source(%arg13 : memref<80x64xf32, #tpu.memory_space<vmem>>) target(%dma_start3A_159 : memref<10112x64xf32, #tpu.memory_space<vmem_shared>>) offsets(%dma_start3A_156 : memref<80xi32, #tpu.memory_space<vmem>>) semaphore(%run_scoped3A : memref<!tpu.dma_semaphore, #tpu.memory_space<semaphore_mem>>) {add = true}
        %dma_wait3A_160 = arith.constant 0 : i32
        %dma_wait3A_161 = tpu.memref_slice %arg8[%add3A_138, %dma_wait3A_160] : memref<125x80xi32, #tpu.memory_space<vmem>> -> memref<1x80xi32, #tpu.memory_space<vmem>>
        %dma_wait3A_162 = tpu.memref_squeeze %dma_wait3A_161 : memref<1x80xi32, #tpu.memory_space<vmem>> -> memref<80xi32, #tpu.memory_space<vmem>>
        %dma_wait3A_163 = arith.constant 0 : i32
        %dma_wait3A_164 = arith.constant 0 : i32
        %dma_wait3A_165 = tpu.memref_slice %arg14[%dma_wait3A_163, %dma_wait3A_164] : memref<10112x64xf32, #tpu.memory_space<vmem_shared>> -> memref<10112x64xf32, #tpu.memory_space<vmem_shared>>
        tpu.wait_indirect_dma semaphore(%run_scoped3A : memref<!tpu.dma_semaphore, #tpu.memory_space<semaphore_mem>>) src(%arg13 : memref<80x64xf32, #tpu.memory_space<vmem>>) dst(%dma_wait3A_165 : memref<10112x64xf32, #tpu.memory_space<vmem_shared>>)
        tpu.yield
      }) : () -> ()
    }
    %scan3A_65 = arith.constant 25 : i32
    %barrier3A_66 = arith.constant 0 : index
    tpu.barrier barrier_id(%barrier3A_66)
    %mul3A_67 = arith.constant 10112 : i32
    %mul3A_68 = arith.muli %arg0, %mul3A_67 : i32
    %add3A_69 = arith.addi %mul3A_68, %mul3A_17 : i32
    "tpu.region"() ({
      %run_scoped3A = tpu.sem_alloc : memref<!tpu.dma_semaphore, #tpu.memory_space<semaphore_mem>>
      %dma_start3A_70 = arith.constant 0 : i32
      %dma_start3A_71 = tpu.memref_slice %arg6[%add3A_69, %dma_start3A_70] : memref<20224x64xf32, #tpu.memory_space<hbm>> -> memref<632x64xf32, #tpu.memory_space<hbm>>
      %dma_start3A_72 = arith.constant 0 : i32
      %dma_start3A_73 = tpu.memref_slice %arg14[%mul3A_17, %dma_start3A_72] : memref<10112x64xf32, #tpu.memory_space<vmem_shared>> -> memref<632x64xf32, #tpu.memory_space<vmem_shared>>
      tpu.enqueue_dma source(%dma_start3A_73 : memref<632x64xf32, #tpu.memory_space<vmem_shared>>) target(%dma_start3A_71 : memref<632x64xf32, #tpu.memory_space<hbm>>) target_semaphore(%run_scoped3A : memref<!tpu.dma_semaphore, #tpu.memory_space<semaphore_mem>>)
      %dma_wait3A_74 = arith.constant 0 : i32
      %dma_wait3A_75 = tpu.memref_slice %arg6[%add3A_69, %dma_wait3A_74] : memref<20224x64xf32, #tpu.memory_space<hbm>> -> memref<632x64xf32, #tpu.memory_space<hbm>>
      %dma_wait3A_76 = arith.constant 0 : i32
      %dma_wait3A_77 = tpu.memref_slice %arg14[%mul3A_17, %dma_wait3A_76] : memref<10112x64xf32, #tpu.memory_space<vmem_shared>> -> memref<632x64xf32, #tpu.memory_space<vmem_shared>>
      tpu.wait_dma2 semaphore(%run_scoped3A : memref<!tpu.dma_semaphore, #tpu.memory_space<semaphore_mem>>) src(%dma_wait3A_77 : memref<632x64xf32, #tpu.memory_space<vmem_shared>>) dst(%dma_wait3A_75 : memref<632x64xf32, #tpu.memory_space<hbm>>)
      tpu.yield
    }) : () -> ()
    return
  }
}

#map = affine_map<(d0, d1) -> (0, 0)>
#map1 = affine_map<(d0, d1) -> (0, 0, 0)>
module attributes {stable_mosaic.version = 14 : i64} {
  func.func @seg(%arg0: i32, %arg1: i32, %arg2: memref<10000x64xf32, #tpu.memory_space<hbm>>, %arg3: memref<32x125x80xi32, #tpu.memory_space<hbm>>, %arg4: memref<32x125x80xi32, #tpu.memory_space<hbm>>, %arg5: memref<10112x64xf32, #tpu.memory_space<hbm>>, %arg6: memref<20224x64xf32, #tpu.memory_space<hbm>>, %arg7: memref<125x80xi32, #tpu.memory_space<vmem>>, %arg8: memref<125x80xi32, #tpu.memory_space<vmem>>, %arg9: memref<80x64xf32, #tpu.memory_space<vmem>>, %arg10: memref<80x64xf32, #tpu.memory_space<vmem>>, %arg11: memref<80x64xf32, #tpu.memory_space<vmem>>, %arg12: memref<80x64xf32, #tpu.memory_space<vmem>>, %arg13: memref<80x64xf32, #tpu.memory_space<vmem>>, %arg14: memref<10112x64xf32, #tpu.memory_space<vmem_shared>>, %arg15: memref<!tpu.dma_semaphore, #tpu.memory_space<semaphore_mem>>, %arg16: memref<!tpu.dma_semaphore, #tpu.memory_space<semaphore_mem>>, %arg17: memref<!tpu.dma_semaphore, #tpu.memory_space<semaphore_mem>>, %arg18: memref<!tpu.dma_semaphore, #tpu.memory_space<semaphore_mem>>, %arg19: memref<!tpu.dma_semaphore, #tpu.memory_space<semaphore_mem>>) attributes {dimension_semantics = [#tpu.dimension_semantics<core_parallel>, #tpu.dimension_semantics<subcore_parallel>], iteration_bounds = array<i64: 2, 16>, scalar_prefetch = 0 : i64, scratch_operands = 13 : i64, tpu.core_type = #tpu.core_type<sc_vector_subcore>, window_params = [{transform_indices = #map}, {transform_indices = #map1}, {transform_indices = #map1}, {transform_indices = #map}, {transform_indices = #map}]} {
    %mul3A = arith.constant 2 : i32
    %mul3A_0 = arith.muli %arg1, %mul3A : i32
    %add3A = arith.addi %mul3A_0, %arg0 : i32
    %dma_start3A = arith.constant 0 : i32
    %dma_start3A_1 = arith.constant 0 : i32
    %dma_start3A_2 = tpu.memref_slice %arg3[%add3A, %dma_start3A, %dma_start3A_1] : memref<32x125x80xi32, #tpu.memory_space<hbm>> -> memref<1x125x80xi32, #tpu.memory_space<hbm>>
    %dma_start3A_3 = tpu.memref_squeeze %dma_start3A_2 : memref<1x125x80xi32, #tpu.memory_space<hbm>> -> memref<125x80xi32, #tpu.memory_space<hbm>>
    %dma_start3A_4 = arith.constant 0 : i32
    %dma_start3A_5 = arith.constant 0 : i32
    %dma_start3A_6 = tpu.memref_slice %arg3[%add3A, %dma_start3A_4, %dma_start3A_5] : memref<32x125x80xi32, #tpu.memory_space<hbm>> -> memref<1x125x80xi32, #tpu.memory_space<hbm>>
    %dma_start3A_7 = tpu.memref_squeeze %dma_start3A_6 : memref<1x125x80xi32, #tpu.memory_space<hbm>> -> memref<125x80xi32, #tpu.memory_space<hbm>>
    tpu.enqueue_dma source(%dma_start3A_7 : memref<125x80xi32, #tpu.memory_space<hbm>>) target(%arg7 : memref<125x80xi32, #tpu.memory_space<vmem>>) target_semaphore(%arg15 : memref<!tpu.dma_semaphore, #tpu.memory_space<semaphore_mem>>)
    %dma_start3A_8 = arith.constant 0 : i32
    %dma_start3A_9 = arith.constant 0 : i32
    %dma_start3A_10 = tpu.memref_slice %arg4[%add3A, %dma_start3A_8, %dma_start3A_9] : memref<32x125x80xi32, #tpu.memory_space<hbm>> -> memref<1x125x80xi32, #tpu.memory_space<hbm>>
    %dma_start3A_11 = tpu.memref_squeeze %dma_start3A_10 : memref<1x125x80xi32, #tpu.memory_space<hbm>> -> memref<125x80xi32, #tpu.memory_space<hbm>>
    %dma_start3A_12 = arith.constant 0 : i32
    %dma_start3A_13 = arith.constant 0 : i32
    %dma_start3A_14 = tpu.memref_slice %arg4[%add3A, %dma_start3A_12, %dma_start3A_13] : memref<32x125x80xi32, #tpu.memory_space<hbm>> -> memref<1x125x80xi32, #tpu.memory_space<hbm>>
    %dma_start3A_15 = tpu.memref_squeeze %dma_start3A_14 : memref<1x125x80xi32, #tpu.memory_space<hbm>> -> memref<125x80xi32, #tpu.memory_space<hbm>>
    tpu.enqueue_dma source(%dma_start3A_15 : memref<125x80xi32, #tpu.memory_space<hbm>>) target(%arg8 : memref<125x80xi32, #tpu.memory_space<vmem>>) target_semaphore(%arg16 : memref<!tpu.dma_semaphore, #tpu.memory_space<semaphore_mem>>)
    %mul3A_16 = arith.constant 632 : i32
    %mul3A_17 = arith.muli %arg1, %mul3A_16 : i32
    "tpu.region"() ({
      %run_scoped3A = tpu.sem_alloc : memref<!tpu.dma_semaphore, #tpu.memory_space<semaphore_mem>>
      %dma_start3A_70 = arith.constant 0 : i32
      %dma_start3A_71 = tpu.memref_slice %arg14[%mul3A_17, %dma_start3A_70] : memref<10112x64xf32, #tpu.memory_space<vmem_shared>> -> memref<632x64xf32, #tpu.memory_space<vmem_shared>>
      %dma_start3A_72 = arith.constant 0 : i32
      %dma_start3A_73 = tpu.memref_slice %arg5[%mul3A_17, %dma_start3A_72] : memref<10112x64xf32, #tpu.memory_space<hbm>> -> memref<632x64xf32, #tpu.memory_space<hbm>>
      tpu.enqueue_dma source(%dma_start3A_73 : memref<632x64xf32, #tpu.memory_space<hbm>>) target(%dma_start3A_71 : memref<632x64xf32, #tpu.memory_space<vmem_shared>>) target_semaphore(%run_scoped3A : memref<!tpu.dma_semaphore, #tpu.memory_space<semaphore_mem>>)
      %dma_wait3A_74 = arith.constant 0 : i32
      %dma_wait3A_75 = tpu.memref_slice %arg14[%mul3A_17, %dma_wait3A_74] : memref<10112x64xf32, #tpu.memory_space<vmem_shared>> -> memref<632x64xf32, #tpu.memory_space<vmem_shared>>
      %dma_wait3A_76 = arith.constant 0 : i32
      %dma_wait3A_77 = tpu.memref_slice %arg5[%mul3A_17, %dma_wait3A_76] : memref<10112x64xf32, #tpu.memory_space<hbm>> -> memref<632x64xf32, #tpu.memory_space<hbm>>
      tpu.wait_dma2 semaphore(%run_scoped3A : memref<!tpu.dma_semaphore, #tpu.memory_space<semaphore_mem>>) src(%dma_wait3A_77 : memref<632x64xf32, #tpu.memory_space<hbm>>) dst(%dma_wait3A_75 : memref<632x64xf32, #tpu.memory_space<vmem_shared>>)
      tpu.yield
    }) : () -> ()
    %dma_wait3A = arith.constant 0 : i32
    %dma_wait3A_18 = arith.constant 0 : i32
    %dma_wait3A_19 = tpu.memref_slice %arg3[%add3A, %dma_wait3A, %dma_wait3A_18] : memref<32x125x80xi32, #tpu.memory_space<hbm>> -> memref<1x125x80xi32, #tpu.memory_space<hbm>>
    %dma_wait3A_20 = tpu.memref_squeeze %dma_wait3A_19 : memref<1x125x80xi32, #tpu.memory_space<hbm>> -> memref<125x80xi32, #tpu.memory_space<hbm>>
    %dma_wait3A_21 = arith.constant 0 : i32
    %dma_wait3A_22 = arith.constant 0 : i32
    %dma_wait3A_23 = tpu.memref_slice %arg3[%add3A, %dma_wait3A_21, %dma_wait3A_22] : memref<32x125x80xi32, #tpu.memory_space<hbm>> -> memref<1x125x80xi32, #tpu.memory_space<hbm>>
    %dma_wait3A_24 = tpu.memref_squeeze %dma_wait3A_23 : memref<1x125x80xi32, #tpu.memory_space<hbm>> -> memref<125x80xi32, #tpu.memory_space<hbm>>
    tpu.wait_dma2 semaphore(%arg15 : memref<!tpu.dma_semaphore, #tpu.memory_space<semaphore_mem>>) src(%dma_wait3A_24 : memref<125x80xi32, #tpu.memory_space<hbm>>) dst(%arg7 : memref<125x80xi32, #tpu.memory_space<vmem>>)
    %dma_wait3A_25 = arith.constant 0 : i32
    %dma_wait3A_26 = arith.constant 0 : i32
    %dma_wait3A_27 = tpu.memref_slice %arg4[%add3A, %dma_wait3A_25, %dma_wait3A_26] : memref<32x125x80xi32, #tpu.memory_space<hbm>> -> memref<1x125x80xi32, #tpu.memory_space<hbm>>
    %dma_wait3A_28 = tpu.memref_squeeze %dma_wait3A_27 : memref<1x125x80xi32, #tpu.memory_space<hbm>> -> memref<125x80xi32, #tpu.memory_space<hbm>>
    %dma_wait3A_29 = arith.constant 0 : i32
    %dma_wait3A_30 = arith.constant 0 : i32
    %dma_wait3A_31 = tpu.memref_slice %arg4[%add3A, %dma_wait3A_29, %dma_wait3A_30] : memref<32x125x80xi32, #tpu.memory_space<hbm>> -> memref<1x125x80xi32, #tpu.memory_space<hbm>>
    %dma_wait3A_32 = tpu.memref_squeeze %dma_wait3A_31 : memref<1x125x80xi32, #tpu.memory_space<hbm>> -> memref<125x80xi32, #tpu.memory_space<hbm>>
    tpu.wait_dma2 semaphore(%arg16 : memref<!tpu.dma_semaphore, #tpu.memory_space<semaphore_mem>>) src(%dma_wait3A_32 : memref<125x80xi32, #tpu.memory_space<hbm>>) dst(%arg8 : memref<125x80xi32, #tpu.memory_space<vmem>>)
    %barrier3A = arith.constant 0 : index
    tpu.barrier barrier_id(%barrier3A)
    %dma_start3A_33 = arith.constant 0 : i32
    %dma_start3A_34 = arith.constant 0 : i32
    %dma_start3A_35 = tpu.memref_slice %arg7[%dma_start3A_33, %dma_start3A_34] : memref<125x80xi32, #tpu.memory_space<vmem>> -> memref<1x80xi32, #tpu.memory_space<vmem>>
    %dma_start3A_36 = tpu.memref_squeeze %dma_start3A_35 : memref<1x80xi32, #tpu.memory_space<vmem>> -> memref<80xi32, #tpu.memory_space<vmem>>
    %dma_start3A_37 = arith.constant 0 : i32
    %dma_start3A_38 = arith.constant 0 : i32
    %dma_start3A_39 = tpu.memref_slice %arg2[%dma_start3A_37, %dma_start3A_38] : memref<10000x64xf32, #tpu.memory_space<hbm>> -> memref<10000x64xf32, #tpu.memory_space<hbm>>
    tpu.enqueue_indirect_dma source(%dma_start3A_39 : memref<10000x64xf32, #tpu.memory_space<hbm>>) target(%arg9 : memref<80x64xf32, #tpu.memory_space<vmem>>) offsets(%dma_start3A_36 : memref<80xi32, #tpu.memory_space<vmem>>) semaphore(%arg15 : memref<!tpu.dma_semaphore, #tpu.memory_space<semaphore_mem>>)
    %dma_start3A_40 = arith.constant 1 : i32
    %dma_start3A_41 = arith.constant 0 : i32
    %dma_start3A_42 = tpu.memref_slice %arg7[%dma_start3A_40, %dma_start3A_41] : memref<125x80xi32, #tpu.memory_space<vmem>> -> memref<1x80xi32, #tpu.memory_space<vmem>>
    %dma_start3A_43 = tpu.memref_squeeze %dma_start3A_42 : memref<1x80xi32, #tpu.memory_space<vmem>> -> memref<80xi32, #tpu.memory_space<vmem>>
    %dma_start3A_44 = arith.constant 0 : i32
    %dma_start3A_45 = arith.constant 0 : i32
    %dma_start3A_46 = tpu.memref_slice %arg2[%dma_start3A_44, %dma_start3A_45] : memref<10000x64xf32, #tpu.memory_space<hbm>> -> memref<10000x64xf32, #tpu.memory_space<hbm>>
    tpu.enqueue_indirect_dma source(%dma_start3A_46 : memref<10000x64xf32, #tpu.memory_space<hbm>>) target(%arg10 : memref<80x64xf32, #tpu.memory_space<vmem>>) offsets(%dma_start3A_43 : memref<80xi32, #tpu.memory_space<vmem>>) semaphore(%arg16 : memref<!tpu.dma_semaphore, #tpu.memory_space<semaphore_mem>>)
    %dma_start3A_47 = arith.constant 2 : i32
    %dma_start3A_48 = arith.constant 0 : i32
    %dma_start3A_49 = tpu.memref_slice %arg7[%dma_start3A_47, %dma_start3A_48] : memref<125x80xi32, #tpu.memory_space<vmem>> -> memref<1x80xi32, #tpu.memory_space<vmem>>
    %dma_start3A_50 = tpu.memref_squeeze %dma_start3A_49 : memref<1x80xi32, #tpu.memory_space<vmem>> -> memref<80xi32, #tpu.memory_space<vmem>>
    %dma_start3A_51 = arith.constant 0 : i32
    %dma_start3A_52 = arith.constant 0 : i32
    %dma_start3A_53 = tpu.memref_slice %arg2[%dma_start3A_51, %dma_start3A_52] : memref<10000x64xf32, #tpu.memory_space<hbm>> -> memref<10000x64xf32, #tpu.memory_space<hbm>>
    tpu.enqueue_indirect_dma source(%dma_start3A_53 : memref<10000x64xf32, #tpu.memory_space<hbm>>) target(%arg11 : memref<80x64xf32, #tpu.memory_space<vmem>>) offsets(%dma_start3A_50 : memref<80xi32, #tpu.memory_space<vmem>>) semaphore(%arg17 : memref<!tpu.dma_semaphore, #tpu.memory_space<semaphore_mem>>)
    %dma_start3A_54 = arith.constant 3 : i32
    %dma_start3A_55 = arith.constant 0 : i32
    %dma_start3A_56 = tpu.memref_slice %arg7[%dma_start3A_54, %dma_start3A_55] : memref<125x80xi32, #tpu.memory_space<vmem>> -> memref<1x80xi32, #tpu.memory_space<vmem>>
    %dma_start3A_57 = tpu.memref_squeeze %dma_start3A_56 : memref<1x80xi32, #tpu.memory_space<vmem>> -> memref<80xi32, #tpu.memory_space<vmem>>
    %dma_start3A_58 = arith.constant 0 : i32
    %dma_start3A_59 = arith.constant 0 : i32
    %dma_start3A_60 = tpu.memref_slice %arg2[%dma_start3A_58, %dma_start3A_59] : memref<10000x64xf32, #tpu.memory_space<hbm>> -> memref<10000x64xf32, #tpu.memory_space<hbm>>
    tpu.enqueue_indirect_dma source(%dma_start3A_60 : memref<10000x64xf32, #tpu.memory_space<hbm>>) target(%arg12 : memref<80x64xf32, #tpu.memory_space<vmem>>) offsets(%dma_start3A_57 : memref<80xi32, #tpu.memory_space<vmem>>) semaphore(%arg18 : memref<!tpu.dma_semaphore, #tpu.memory_space<semaphore_mem>>)
    %scan3A = arith.constant 0 : i32
    %scan3A_61 = arith.constant 0 : i32
    %scan3A_62 = arith.constant 25 : i32
    %scan3A_63 = arith.addi %scan3A_61, %scan3A_62 : i32
    %scan3A_64 = arith.constant 1 : i32
    scf.for %scan3A_70 = %scan3A_61 to %scan3A_63 step %scan3A_64  : i32 {
      %mul3A_71 = arith.constant 5 : i32
      %mul3A_72 = arith.muli %scan3A_70, %mul3A_71 : i32
      %add3A_73 = arith.constant 0 : i32
      %add3A_74 = arith.addi %mul3A_72, %add3A_73 : i32
      %add3A_75 = arith.constant 5 : i32
      %add3A_76 = arith.addi %add3A_74, %add3A_75 : i32
      %sub3A = arith.constant 1 : i32
      %sub3A_77 = arith.subi %add3A_76, %sub3A : i32
      %lt3A = arith.constant 125 : i32
      %lt3A_78 = arith.cmpi slt, %sub3A_77, %lt3A : i32
      %convert_element_type3A = arith.extui %lt3A_78 : i1 to i32
      %cond3A = arith.constant 0 : i32
      %cond3A_79 = arith.cmpi ne, %convert_element_type3A, %cond3A : i32
      scf.if %cond3A_79 {
        %dma_start3A_154 = arith.constant 0 : i32
        %dma_start3A_155 = tpu.memref_slice %arg7[%sub3A_77, %dma_start3A_154] : memref<125x80xi32, #tpu.memory_space<vmem>> -> memref<1x80xi32, #tpu.memory_space<vmem>>
        %dma_start3A_156 = tpu.memref_squeeze %dma_start3A_155 : memref<1x80xi32, #tpu.memory_space<vmem>> -> memref<80xi32, #tpu.memory_space<vmem>>
        %dma_start3A_157 = arith.constant 0 : i32
        %dma_start3A_158 = arith.constant 0 : i32
        %dma_start3A_159 = tpu.memref_slice %arg2[%dma_start3A_157, %dma_start3A_158] : memref<10000x64xf32, #tpu.memory_space<hbm>> -> memref<10000x64xf32, #tpu.memory_space<hbm>>
        tpu.enqueue_indirect_dma source(%dma_start3A_159 : memref<10000x64xf32, #tpu.memory_space<hbm>>) target(%arg13 : memref<80x64xf32, #tpu.memory_space<vmem>>) offsets(%dma_start3A_156 : memref<80xi32, #tpu.memory_space<vmem>>) semaphore(%arg19 : memref<!tpu.dma_semaphore, #tpu.memory_space<semaphore_mem>>)
      } else {
      }
      %dma_wait3A_80 = arith.constant 0 : i32
      %dma_wait3A_81 = tpu.memref_slice %arg7[%add3A_74, %dma_wait3A_80] : memref<125x80xi32, #tpu.memory_space<vmem>> -> memref<1x80xi32, #tpu.memory_space<vmem>>
      %dma_wait3A_82 = tpu.memref_squeeze %dma_wait3A_81 : memref<1x80xi32, #tpu.memory_space<vmem>> -> memref<80xi32, #tpu.memory_space<vmem>>
      %dma_wait3A_83 = arith.constant 0 : i32
      %dma_wait3A_84 = arith.constant 0 : i32
      %dma_wait3A_85 = tpu.memref_slice %arg2[%dma_wait3A_83, %dma_wait3A_84] : memref<10000x64xf32, #tpu.memory_space<hbm>> -> memref<10000x64xf32, #tpu.memory_space<hbm>>
      tpu.wait_indirect_dma semaphore(%arg15 : memref<!tpu.dma_semaphore, #tpu.memory_space<semaphore_mem>>) src(%dma_wait3A_85 : memref<10000x64xf32, #tpu.memory_space<hbm>>) dst(%arg9 : memref<80x64xf32, #tpu.memory_space<vmem>>)
      "tpu.region"() ({
        %run_scoped3A = tpu.sem_alloc : memref<!tpu.dma_semaphore, #tpu.memory_space<semaphore_mem>>
        %dma_start3A_154 = arith.constant 0 : i32
        %dma_start3A_155 = tpu.memref_slice %arg8[%add3A_74, %dma_start3A_154] : memref<125x80xi32, #tpu.memory_space<vmem>> -> memref<1x80xi32, #tpu.memory_space<vmem>>
        %dma_start3A_156 = tpu.memref_squeeze %dma_start3A_155 : memref<1x80xi32, #tpu.memory_space<vmem>> -> memref<80xi32, #tpu.memory_space<vmem>>
        %dma_start3A_157 = arith.constant 0 : i32
        %dma_start3A_158 = arith.constant 0 : i32
        %dma_start3A_159 = tpu.memref_slice %arg14[%dma_start3A_157, %dma_start3A_158] : memref<10112x64xf32, #tpu.memory_space<vmem_shared>> -> memref<10112x64xf32, #tpu.memory_space<vmem_shared>>
        tpu.enqueue_indirect_dma source(%arg9 : memref<80x64xf32, #tpu.memory_space<vmem>>) target(%dma_start3A_159 : memref<10112x64xf32, #tpu.memory_space<vmem_shared>>) offsets(%dma_start3A_156 : memref<80xi32, #tpu.memory_space<vmem>>) semaphore(%run_scoped3A : memref<!tpu.dma_semaphore, #tpu.memory_space<semaphore_mem>>) {add = true}
        %dma_wait3A_160 = arith.constant 0 : i32
        %dma_wait3A_161 = tpu.memref_slice %arg8[%add3A_74, %dma_wait3A_160] : memref<125x80xi32, #tpu.memory_space<vmem>> -> memref<1x80xi32, #tpu.memory_space<vmem>>
        %dma_wait3A_162 = tpu.memref_squeeze %dma_wait3A_161 : memref<1x80xi32, #tpu.memory_space<vmem>> -> memref<80xi32, #tpu.memory_space<vmem>>
        %dma_wait3A_163 = arith.constant 0 : i32
        %dma_wait3A_164 = arith.constant 0 : i32
        %dma_wait3A_165 = tpu.memref_slice %arg14[%dma_wait3A_163, %dma_wait3A_164] : memref<10112x64xf32, #tpu.memory_space<vmem_shared>> -> memref<10112x64xf32, #tpu.memory_space<vmem_shared>>
        tpu.wait_indirect_dma semaphore(%run_scoped3A : memref<!tpu.dma_semaphore, #tpu.memory_space<semaphore_mem>>) src(%arg9 : memref<80x64xf32, #tpu.memory_space<vmem>>) dst(%dma_wait3A_165 : memref<10112x64xf32, #tpu.memory_space<vmem_shared>>)
        tpu.yield
      }) : () -> ()
      %add3A_86 = arith.constant 1 : i32
      %add3A_87 = arith.addi %mul3A_72, %add3A_86 : i32
      %add3A_88 = arith.constant 5 : i32
      %add3A_89 = arith.addi %add3A_87, %add3A_88 : i32
      %sub3A_90 = arith.constant 1 : i32
      %sub3A_91 = arith.subi %add3A_89, %sub3A_90 : i32
      %lt3A_92 = arith.constant 125 : i32
      %lt3A_93 = arith.cmpi slt, %sub3A_91, %lt3A_92 : i32
      %convert_element_type3A_94 = arith.extui %lt3A_93 : i1 to i32
      %cond3A_95 = arith.constant 0 : i32
      %cond3A_96 = arith.cmpi ne, %convert_element_type3A_94, %cond3A_95 : i32
      scf.if %cond3A_96 {
        %dma_start3A_154 = arith.constant 0 : i32
        %dma_start3A_155 = tpu.memref_slice %arg7[%sub3A_91, %dma_start3A_154] : memref<125x80xi32, #tpu.memory_space<vmem>> -> memref<1x80xi32, #tpu.memory_space<vmem>>
        %dma_start3A_156 = tpu.memref_squeeze %dma_start3A_155 : memref<1x80xi32, #tpu.memory_space<vmem>> -> memref<80xi32, #tpu.memory_space<vmem>>
        %dma_start3A_157 = arith.constant 0 : i32
        %dma_start3A_158 = arith.constant 0 : i32
        %dma_start3A_159 = tpu.memref_slice %arg2[%dma_start3A_157, %dma_start3A_158] : memref<10000x64xf32, #tpu.memory_space<hbm>> -> memref<10000x64xf32, #tpu.memory_space<hbm>>
        tpu.enqueue_indirect_dma source(%dma_start3A_159 : memref<10000x64xf32, #tpu.memory_space<hbm>>) target(%arg9 : memref<80x64xf32, #tpu.memory_space<vmem>>) offsets(%dma_start3A_156 : memref<80xi32, #tpu.memory_space<vmem>>) semaphore(%arg15 : memref<!tpu.dma_semaphore, #tpu.memory_space<semaphore_mem>>)
      } else {
      }
      %dma_wait3A_97 = arith.constant 0 : i32
      %dma_wait3A_98 = tpu.memref_slice %arg7[%add3A_87, %dma_wait3A_97] : memref<125x80xi32, #tpu.memory_space<vmem>> -> memref<1x80xi32, #tpu.memory_space<vmem>>
      %dma_wait3A_99 = tpu.memref_squeeze %dma_wait3A_98 : memref<1x80xi32, #tpu.memory_space<vmem>> -> memref<80xi32, #tpu.memory_space<vmem>>
      %dma_wait3A_100 = arith.constant 0 : i32
      %dma_wait3A_101 = arith.constant 0 : i32
      %dma_wait3A_102 = tpu.memref_slice %arg2[%dma_wait3A_100, %dma_wait3A_101] : memref<10000x64xf32, #tpu.memory_space<hbm>> -> memref<10000x64xf32, #tpu.memory_space<hbm>>
      tpu.wait_indirect_dma semaphore(%arg16 : memref<!tpu.dma_semaphore, #tpu.memory_space<semaphore_mem>>) src(%dma_wait3A_102 : memref<10000x64xf32, #tpu.memory_space<hbm>>) dst(%arg10 : memref<80x64xf32, #tpu.memory_space<vmem>>)
      "tpu.region"() ({
        %run_scoped3A = tpu.sem_alloc : memref<!tpu.dma_semaphore, #tpu.memory_space<semaphore_mem>>
        %dma_start3A_154 = arith.constant 0 : i32
        %dma_start3A_155 = tpu.memref_slice %arg8[%add3A_87, %dma_start3A_154] : memref<125x80xi32, #tpu.memory_space<vmem>> -> memref<1x80xi32, #tpu.memory_space<vmem>>
        %dma_start3A_156 = tpu.memref_squeeze %dma_start3A_155 : memref<1x80xi32, #tpu.memory_space<vmem>> -> memref<80xi32, #tpu.memory_space<vmem>>
        %dma_start3A_157 = arith.constant 0 : i32
        %dma_start3A_158 = arith.constant 0 : i32
        %dma_start3A_159 = tpu.memref_slice %arg14[%dma_start3A_157, %dma_start3A_158] : memref<10112x64xf32, #tpu.memory_space<vmem_shared>> -> memref<10112x64xf32, #tpu.memory_space<vmem_shared>>
        tpu.enqueue_indirect_dma source(%arg10 : memref<80x64xf32, #tpu.memory_space<vmem>>) target(%dma_start3A_159 : memref<10112x64xf32, #tpu.memory_space<vmem_shared>>) offsets(%dma_start3A_156 : memref<80xi32, #tpu.memory_space<vmem>>) semaphore(%run_scoped3A : memref<!tpu.dma_semaphore, #tpu.memory_space<semaphore_mem>>) {add = true}
        %dma_wait3A_160 = arith.constant 0 : i32
        %dma_wait3A_161 = tpu.memref_slice %arg8[%add3A_87, %dma_wait3A_160] : memref<125x80xi32, #tpu.memory_space<vmem>> -> memref<1x80xi32, #tpu.memory_space<vmem>>
        %dma_wait3A_162 = tpu.memref_squeeze %dma_wait3A_161 : memref<1x80xi32, #tpu.memory_space<vmem>> -> memref<80xi32, #tpu.memory_space<vmem>>
        %dma_wait3A_163 = arith.constant 0 : i32
        %dma_wait3A_164 = arith.constant 0 : i32
        %dma_wait3A_165 = tpu.memref_slice %arg14[%dma_wait3A_163, %dma_wait3A_164] : memref<10112x64xf32, #tpu.memory_space<vmem_shared>> -> memref<10112x64xf32, #tpu.memory_space<vmem_shared>>
        tpu.wait_indirect_dma semaphore(%run_scoped3A : memref<!tpu.dma_semaphore, #tpu.memory_space<semaphore_mem>>) src(%arg10 : memref<80x64xf32, #tpu.memory_space<vmem>>) dst(%dma_wait3A_165 : memref<10112x64xf32, #tpu.memory_space<vmem_shared>>)
        tpu.yield
      }) : () -> ()
      %add3A_103 = arith.constant 2 : i32
      %add3A_104 = arith.addi %mul3A_72, %add3A_103 : i32
      %add3A_105 = arith.constant 5 : i32
      %add3A_106 = arith.addi %add3A_104, %add3A_105 : i32
      %sub3A_107 = arith.constant 1 : i32
      %sub3A_108 = arith.subi %add3A_106, %sub3A_107 : i32
      %lt3A_109 = arith.constant 125 : i32
      %lt3A_110 = arith.cmpi slt, %sub3A_108, %lt3A_109 : i32
      %convert_element_type3A_111 = arith.extui %lt3A_110 : i1 to i32
      %cond3A_112 = arith.constant 0 : i32
      %cond3A_113 = arith.cmpi ne, %convert_element_type3A_111, %cond3A_112 : i32
      scf.if %cond3A_113 {
        %dma_start3A_154 = arith.constant 0 : i32
        %dma_start3A_155 = tpu.memref_slice %arg7[%sub3A_108, %dma_start3A_154] : memref<125x80xi32, #tpu.memory_space<vmem>> -> memref<1x80xi32, #tpu.memory_space<vmem>>
        %dma_start3A_156 = tpu.memref_squeeze %dma_start3A_155 : memref<1x80xi32, #tpu.memory_space<vmem>> -> memref<80xi32, #tpu.memory_space<vmem>>
        %dma_start3A_157 = arith.constant 0 : i32
        %dma_start3A_158 = arith.constant 0 : i32
        %dma_start3A_159 = tpu.memref_slice %arg2[%dma_start3A_157, %dma_start3A_158] : memref<10000x64xf32, #tpu.memory_space<hbm>> -> memref<10000x64xf32, #tpu.memory_space<hbm>>
        tpu.enqueue_indirect_dma source(%dma_start3A_159 : memref<10000x64xf32, #tpu.memory_space<hbm>>) target(%arg10 : memref<80x64xf32, #tpu.memory_space<vmem>>) offsets(%dma_start3A_156 : memref<80xi32, #tpu.memory_space<vmem>>) semaphore(%arg16 : memref<!tpu.dma_semaphore, #tpu.memory_space<semaphore_mem>>)
      } else {
      }
      %dma_wait3A_114 = arith.constant 0 : i32
      %dma_wait3A_115 = tpu.memref_slice %arg7[%add3A_104, %dma_wait3A_114] : memref<125x80xi32, #tpu.memory_space<vmem>> -> memref<1x80xi32, #tpu.memory_space<vmem>>
      %dma_wait3A_116 = tpu.memref_squeeze %dma_wait3A_115 : memref<1x80xi32, #tpu.memory_space<vmem>> -> memref<80xi32, #tpu.memory_space<vmem>>
      %dma_wait3A_117 = arith.constant 0 : i32
      %dma_wait3A_118 = arith.constant 0 : i32
      %dma_wait3A_119 = tpu.memref_slice %arg2[%dma_wait3A_117, %dma_wait3A_118] : memref<10000x64xf32, #tpu.memory_space<hbm>> -> memref<10000x64xf32, #tpu.memory_space<hbm>>
      tpu.wait_indirect_dma semaphore(%arg17 : memref<!tpu.dma_semaphore, #tpu.memory_space<semaphore_mem>>) src(%dma_wait3A_119 : memref<10000x64xf32, #tpu.memory_space<hbm>>) dst(%arg11 : memref<80x64xf32, #tpu.memory_space<vmem>>)
      "tpu.region"() ({
        %run_scoped3A = tpu.sem_alloc : memref<!tpu.dma_semaphore, #tpu.memory_space<semaphore_mem>>
        %dma_start3A_154 = arith.constant 0 : i32
        %dma_start3A_155 = tpu.memref_slice %arg8[%add3A_104, %dma_start3A_154] : memref<125x80xi32, #tpu.memory_space<vmem>> -> memref<1x80xi32, #tpu.memory_space<vmem>>
        %dma_start3A_156 = tpu.memref_squeeze %dma_start3A_155 : memref<1x80xi32, #tpu.memory_space<vmem>> -> memref<80xi32, #tpu.memory_space<vmem>>
        %dma_start3A_157 = arith.constant 0 : i32
        %dma_start3A_158 = arith.constant 0 : i32
        %dma_start3A_159 = tpu.memref_slice %arg14[%dma_start3A_157, %dma_start3A_158] : memref<10112x64xf32, #tpu.memory_space<vmem_shared>> -> memref<10112x64xf32, #tpu.memory_space<vmem_shared>>
        tpu.enqueue_indirect_dma source(%arg11 : memref<80x64xf32, #tpu.memory_space<vmem>>) target(%dma_start3A_159 : memref<10112x64xf32, #tpu.memory_space<vmem_shared>>) offsets(%dma_start3A_156 : memref<80xi32, #tpu.memory_space<vmem>>) semaphore(%run_scoped3A : memref<!tpu.dma_semaphore, #tpu.memory_space<semaphore_mem>>) {add = true}
        %dma_wait3A_160 = arith.constant 0 : i32
        %dma_wait3A_161 = tpu.memref_slice %arg8[%add3A_104, %dma_wait3A_160] : memref<125x80xi32, #tpu.memory_space<vmem>> -> memref<1x80xi32, #tpu.memory_space<vmem>>
        %dma_wait3A_162 = tpu.memref_squeeze %dma_wait3A_161 : memref<1x80xi32, #tpu.memory_space<vmem>> -> memref<80xi32, #tpu.memory_space<vmem>>
        %dma_wait3A_163 = arith.constant 0 : i32
        %dma_wait3A_164 = arith.constant 0 : i32
        %dma_wait3A_165 = tpu.memref_slice %arg14[%dma_wait3A_163, %dma_wait3A_164] : memref<10112x64xf32, #tpu.memory_space<vmem_shared>> -> memref<10112x64xf32, #tpu.memory_space<vmem_shared>>
        tpu.wait_indirect_dma semaphore(%run_scoped3A : memref<!tpu.dma_semaphore, #tpu.memory_space<semaphore_mem>>) src(%arg11 : memref<80x64xf32, #tpu.memory_space<vmem>>) dst(%dma_wait3A_165 : memref<10112x64xf32, #tpu.memory_space<vmem_shared>>)
        tpu.yield
      }) : () -> ()
      %add3A_120 = arith.constant 3 : i32
      %add3A_121 = arith.addi %mul3A_72, %add3A_120 : i32
      %add3A_122 = arith.constant 5 : i32
      %add3A_123 = arith.addi %add3A_121, %add3A_122 : i32
      %sub3A_124 = arith.constant 1 : i32
      %sub3A_125 = arith.subi %add3A_123, %sub3A_124 : i32
      %lt3A_126 = arith.constant 125 : i32
      %lt3A_127 = arith.cmpi slt, %sub3A_125, %lt3A_126 : i32
      %convert_element_type3A_128 = arith.extui %lt3A_127 : i1 to i32
      %cond3A_129 = arith.constant 0 : i32
      %cond3A_130 = arith.cmpi ne, %convert_element_type3A_128, %cond3A_129 : i32
      scf.if %cond3A_130 {
        %dma_start3A_154 = arith.constant 0 : i32
        %dma_start3A_155 = tpu.memref_slice %arg7[%sub3A_125, %dma_start3A_154] : memref<125x80xi32, #tpu.memory_space<vmem>> -> memref<1x80xi32, #tpu.memory_space<vmem>>
        %dma_start3A_156 = tpu.memref_squeeze %dma_start3A_155 : memref<1x80xi32, #tpu.memory_space<vmem>> -> memref<80xi32, #tpu.memory_space<vmem>>
        %dma_start3A_157 = arith.constant 0 : i32
        %dma_start3A_158 = arith.constant 0 : i32
        %dma_start3A_159 = tpu.memref_slice %arg2[%dma_start3A_157, %dma_start3A_158] : memref<10000x64xf32, #tpu.memory_space<hbm>> -> memref<10000x64xf32, #tpu.memory_space<hbm>>
        tpu.enqueue_indirect_dma source(%dma_start3A_159 : memref<10000x64xf32, #tpu.memory_space<hbm>>) target(%arg11 : memref<80x64xf32, #tpu.memory_space<vmem>>) offsets(%dma_start3A_156 : memref<80xi32, #tpu.memory_space<vmem>>) semaphore(%arg17 : memref<!tpu.dma_semaphore, #tpu.memory_space<semaphore_mem>>)
      } else {
      }
      %dma_wait3A_131 = arith.constant 0 : i32
      %dma_wait3A_132 = tpu.memref_slice %arg7[%add3A_121, %dma_wait3A_131] : memref<125x80xi32, #tpu.memory_space<vmem>> -> memref<1x80xi32, #tpu.memory_space<vmem>>
      %dma_wait3A_133 = tpu.memref_squeeze %dma_wait3A_132 : memref<1x80xi32, #tpu.memory_space<vmem>> -> memref<80xi32, #tpu.memory_space<vmem>>
      %dma_wait3A_134 = arith.constant 0 : i32
      %dma_wait3A_135 = arith.constant 0 : i32
      %dma_wait3A_136 = tpu.memref_slice %arg2[%dma_wait3A_134, %dma_wait3A_135] : memref<10000x64xf32, #tpu.memory_space<hbm>> -> memref<10000x64xf32, #tpu.memory_space<hbm>>
      tpu.wait_indirect_dma semaphore(%arg18 : memref<!tpu.dma_semaphore, #tpu.memory_space<semaphore_mem>>) src(%dma_wait3A_136 : memref<10000x64xf32, #tpu.memory_space<hbm>>) dst(%arg12 : memref<80x64xf32, #tpu.memory_space<vmem>>)
      "tpu.region"() ({
        %run_scoped3A = tpu.sem_alloc : memref<!tpu.dma_semaphore, #tpu.memory_space<semaphore_mem>>
        %dma_start3A_154 = arith.constant 0 : i32
        %dma_start3A_155 = tpu.memref_slice %arg8[%add3A_121, %dma_start3A_154] : memref<125x80xi32, #tpu.memory_space<vmem>> -> memref<1x80xi32, #tpu.memory_space<vmem>>
        %dma_start3A_156 = tpu.memref_squeeze %dma_start3A_155 : memref<1x80xi32, #tpu.memory_space<vmem>> -> memref<80xi32, #tpu.memory_space<vmem>>
        %dma_start3A_157 = arith.constant 0 : i32
        %dma_start3A_158 = arith.constant 0 : i32
        %dma_start3A_159 = tpu.memref_slice %arg14[%dma_start3A_157, %dma_start3A_158] : memref<10112x64xf32, #tpu.memory_space<vmem_shared>> -> memref<10112x64xf32, #tpu.memory_space<vmem_shared>>
        tpu.enqueue_indirect_dma source(%arg12 : memref<80x64xf32, #tpu.memory_space<vmem>>) target(%dma_start3A_159 : memref<10112x64xf32, #tpu.memory_space<vmem_shared>>) offsets(%dma_start3A_156 : memref<80xi32, #tpu.memory_space<vmem>>) semaphore(%run_scoped3A : memref<!tpu.dma_semaphore, #tpu.memory_space<semaphore_mem>>) {add = true}
        %dma_wait3A_160 = arith.constant 0 : i32
        %dma_wait3A_161 = tpu.memref_slice %arg8[%add3A_121, %dma_wait3A_160] : memref<125x80xi32, #tpu.memory_space<vmem>> -> memref<1x80xi32, #tpu.memory_space<vmem>>
        %dma_wait3A_162 = tpu.memref_squeeze %dma_wait3A_161 : memref<1x80xi32, #tpu.memory_space<vmem>> -> memref<80xi32, #tpu.memory_space<vmem>>
        %dma_wait3A_163 = arith.constant 0 : i32
        %dma_wait3A_164 = arith.constant 0 : i32
        %dma_wait3A_165 = tpu.memref_slice %arg14[%dma_wait3A_163, %dma_wait3A_164] : memref<10112x64xf32, #tpu.memory_space<vmem_shared>> -> memref<10112x64xf32, #tpu.memory_space<vmem_shared>>
        tpu.wait_indirect_dma semaphore(%run_scoped3A : memref<!tpu.dma_semaphore, #tpu.memory_space<semaphore_mem>>) src(%arg12 : memref<80x64xf32, #tpu.memory_space<vmem>>) dst(%dma_wait3A_165 : memref<10112x64xf32, #tpu.memory_space<vmem_shared>>)
        tpu.yield
      }) : () -> ()
      %add3A_137 = arith.constant 4 : i32
      %add3A_138 = arith.addi %mul3A_72, %add3A_137 : i32
      %add3A_139 = arith.constant 5 : i32
      %add3A_140 = arith.addi %add3A_138, %add3A_139 : i32
      %sub3A_141 = arith.constant 1 : i32
      %sub3A_142 = arith.subi %add3A_140, %sub3A_141 : i32
      %lt3A_143 = arith.constant 125 : i32
      %lt3A_144 = arith.cmpi slt, %sub3A_142, %lt3A_143 : i32
      %convert_element_type3A_145 = arith.extui %lt3A_144 : i1 to i32
      %cond3A_146 = arith.constant 0 : i32
      %cond3A_147 = arith.cmpi ne, %convert_element_type3A_145, %cond3A_146 : i32
      scf.if %cond3A_147 {
        %dma_start3A_154 = arith.constant 0 : i32
        %dma_start3A_155 = tpu.memref_slice %arg7[%sub3A_142, %dma_start3A_154] : memref<125x80xi32, #tpu.memory_space<vmem>> -> memref<1x80xi32, #tpu.memory_space<vmem>>
        %dma_start3A_156 = tpu.memref_squeeze %dma_start3A_155 : memref<1x80xi32, #tpu.memory_space<vmem>> -> memref<80xi32, #tpu.memory_space<vmem>>
        %dma_start3A_157 = arith.constant 0 : i32
        %dma_start3A_158 = arith.constant 0 : i32
        %dma_start3A_159 = tpu.memref_slice %arg2[%dma_start3A_157, %dma_start3A_158] : memref<10000x64xf32, #tpu.memory_space<hbm>> -> memref<10000x64xf32, #tpu.memory_space<hbm>>
        tpu.enqueue_indirect_dma source(%dma_start3A_159 : memref<10000x64xf32, #tpu.memory_space<hbm>>) target(%arg12 : memref<80x64xf32, #tpu.memory_space<vmem>>) offsets(%dma_start3A_156 : memref<80xi32, #tpu.memory_space<vmem>>) semaphore(%arg18 : memref<!tpu.dma_semaphore, #tpu.memory_space<semaphore_mem>>)
      } else {
      }
      %dma_wait3A_148 = arith.constant 0 : i32
      %dma_wait3A_149 = tpu.memref_slice %arg7[%add3A_138, %dma_wait3A_148] : memref<125x80xi32, #tpu.memory_space<vmem>> -> memref<1x80xi32, #tpu.memory_space<vmem>>
      %dma_wait3A_150 = tpu.memref_squeeze %dma_wait3A_149 : memref<1x80xi32, #tpu.memory_space<vmem>> -> memref<80xi32, #tpu.memory_space<vmem>>
      %dma_wait3A_151 = arith.constant 0 : i32
      %dma_wait3A_152 = arith.constant 0 : i32
      %dma_wait3A_153 = tpu.memref_slice %arg2[%dma_wait3A_151, %dma_wait3A_152] : memref<10000x64xf32, #tpu.memory_space<hbm>> -> memref<10000x64xf32, #tpu.memory_space<hbm>>
      tpu.wait_indirect_dma semaphore(%arg19 : memref<!tpu.dma_semaphore, #tpu.memory_space<semaphore_mem>>) src(%dma_wait3A_153 : memref<10000x64xf32, #tpu.memory_space<hbm>>) dst(%arg13 : memref<80x64xf32, #tpu.memory_space<vmem>>)
      "tpu.region"() ({
        %run_scoped3A = tpu.sem_alloc : memref<!tpu.dma_semaphore, #tpu.memory_space<semaphore_mem>>
        %dma_start3A_154 = arith.constant 0 : i32
        %dma_start3A_155 = tpu.memref_slice %arg8[%add3A_138, %dma_start3A_154] : memref<125x80xi32, #tpu.memory_space<vmem>> -> memref<1x80xi32, #tpu.memory_space<vmem>>
        %dma_start3A_156 = tpu.memref_squeeze %dma_start3A_155 : memref<1x80xi32, #tpu.memory_space<vmem>> -> memref<80xi32, #tpu.memory_space<vmem>>
        %dma_start3A_157 = arith.constant 0 : i32
        %dma_start3A_158 = arith.constant 0 : i32
        %dma_start3A_159 = tpu.memref_slice %arg14[%dma_start3A_157, %dma_start3A_158] : memref<10112x64xf32, #tpu.memory_space<vmem_shared>> -> memref<10112x64xf32, #tpu.memory_space<vmem_shared>>
        tpu.enqueue_indirect_dma source(%arg13 : memref<80x64xf32, #tpu.memory_space<vmem>>) target(%dma_start3A_159 : memref<10112x64xf32, #tpu.memory_space<vmem_shared>>) offsets(%dma_start3A_156 : memref<80xi32, #tpu.memory_space<vmem>>) semaphore(%run_scoped3A : memref<!tpu.dma_semaphore, #tpu.memory_space<semaphore_mem>>) {add = true}
        %dma_wait3A_160 = arith.constant 0 : i32
        %dma_wait3A_161 = tpu.memref_slice %arg8[%add3A_138, %dma_wait3A_160] : memref<125x80xi32, #tpu.memory_space<vmem>> -> memref<1x80xi32, #tpu.memory_space<vmem>>
        %dma_wait3A_162 = tpu.memref_squeeze %dma_wait3A_161 : memref<1x80xi32, #tpu.memory_space<vmem>> -> memref<80xi32, #tpu.memory_space<vmem>>
        %dma_wait3A_163 = arith.constant 0 : i32
        %dma_wait3A_164 = arith.constant 0 : i32
        %dma_wait3A_165 = tpu.memref_slice %arg14[%dma_wait3A_163, %dma_wait3A_164] : memref<10112x64xf32, #tpu.memory_space<vmem_shared>> -> memref<10112x64xf32, #tpu.memory_space<vmem_shared>>
        tpu.wait_indirect_dma semaphore(%run_scoped3A : memref<!tpu.dma_semaphore, #tpu.memory_space<semaphore_mem>>) src(%arg13 : memref<80x64xf32, #tpu.memory_space<vmem>>) dst(%dma_wait3A_165 : memref<10112x64xf32, #tpu.memory_space<vmem_shared>>)
        tpu.yield
      }) : () -> ()
    }
    %scan3A_65 = arith.constant 25 : i32
    %barrier3A_66 = arith.constant 0 : index
    tpu.barrier barrier_id(%barrier3A_66)
    %mul3A_67 = arith.constant 10112 : i32
    %mul3A_68 = arith.muli %arg0, %mul3A_67 : i32
    %add3A_69 = arith.addi %mul3A_68, %mul3A_17 : i32
    "tpu.region"() ({
      %run_scoped3A = tpu.sem_alloc : memref<!tpu.dma_semaphore, #tpu.memory_space<semaphore_mem>>
      %dma_start3A_70 = arith.constant 0 : i32
      %dma_start3A_71 = tpu.memref_slice %arg6[%add3A_69, %dma_start3A_70] : memref<20224x64xf32, #tpu.memory_space<hbm>> -> memref<632x64xf32, #tpu.memory_space<hbm>>
      %dma_start3A_72 = arith.constant 0 : i32
      %dma_start3A_73 = tpu.memref_slice %arg14[%mul3A_17, %dma_start3A_72] : memref<10112x64xf32, #tpu.memory_space<vmem_shared>> -> memref<632x64xf32, #tpu.memory_space<vmem_shared>>
      tpu.enqueue_dma source(%dma_start3A_73 : memref<632x64xf32, #tpu.memory_space<vmem_shared>>) target(%dma_start3A_71 : memref<632x64xf32, #tpu.memory_space<hbm>>) target_semaphore(%run_scoped3A : memref<!tpu.dma_semaphore, #tpu.memory_space<semaphore_mem>>)
      %dma_wait3A_74 = arith.constant 0 : i32
      %dma_wait3A_75 = tpu.memref_slice %arg6[%add3A_69, %dma_wait3A_74] : memref<20224x64xf32, #tpu.memory_space<hbm>> -> memref<632x64xf32, #tpu.memory_space<hbm>>
      %dma_wait3A_76 = arith.constant 0 : i32
      %dma_wait3A_77 = tpu.memref_slice %arg14[%mul3A_17, %dma_wait3A_76] : memref<10112x64xf32, #tpu.memory_space<vmem_shared>> -> memref<632x64xf32, #tpu.memory_space<vmem_shared>>
      tpu.wait_dma2 semaphore(%run_scoped3A : memref<!tpu.dma_semaphore, #tpu.memory_space<semaphore_mem>>) src(%dma_wait3A_77 : memref<632x64xf32, #tpu.memory_space<vmem_shared>>) dst(%dma_wait3A_75 : memref<632x64xf32, #tpu.memory_space<hbm>>)
      tpu.yield
    }) : () -> ()
    return
  }
}

module attributes {stable_mosaic.version = 14 : i64} {
  func.func @_d1_body(%arg0: memref<10000x128xf32, #tpu.memory_space<vmem>>, %arg1: memref<128x64xf32, #tpu.memory_space<vmem>>, %arg2: memref<10000x64xf32, #tpu.memory_space<vmem>>) attributes {dimension_semantics = [], scalar_prefetch = 0 : i64, scratch_operands = 0 : i64, tpu.core_type = #tpu.core_type<tc>} {
    %get3A = arith.constant 0 : index
    %get3A_0 = arith.constant 0 : index
    %get3A_1 = vector.load %arg0[%get3A, %get3A_0] : memref<10000x128xf32, #tpu.memory_space<vmem>>, vector<10000x128xf32>
    %get3A_2 = arith.constant 0 : index
    %get3A_3 = arith.constant 0 : index
    %get3A_4 = vector.load %arg1[%get3A_2, %get3A_3] : memref<128x64xf32, #tpu.memory_space<vmem>>, vector<128x64xf32>
    %dot_general3A = arith.constant dense<0.000000e+00> : vector<10000x64xf32>
    %dot_general3A_5 = tpu.matmul %get3A_1, %get3A_4, %dot_general3A {dimension_numbers = #tpu.dot_dimension_numbers<[1], [0], [0], [1], [0, 0, 1, 1], [], []>, transpose_lhs_hint = false} : vector<10000x128xf32>, vector<128x64xf32>, vector<10000x64xf32> -> vector<10000x64xf32>
    %swap3A = arith.constant 0 : index
    %swap3A_6 = arith.constant 0 : index
    %swap3A_7 = vector.load %arg2[%swap3A, %swap3A_6] : memref<10000x64xf32, #tpu.memory_space<vmem>>, vector<10000x64xf32>
    tpu.vector_store %arg2[%swap3A, %swap3A_6], %dot_general3A_5 {strides = array<i32>} : memref<10000x64xf32, #tpu.memory_space<vmem>>, vector<10000x64xf32>,
    return
  }
}

module attributes {stable_mosaic.version = 14 : i64} {
  func.func @_d2_body(%arg0: memref<10000x64xf32, #tpu.memory_space<vmem>>, %arg1: memref<2x10000x64xf32, #tpu.memory_space<vmem>>, %arg2: memref<1x64xf32, #tpu.memory_space<vmem>>, %arg3: memref<64x64xf32, #tpu.memory_space<vmem>>, %arg4: memref<1x64xf32, #tpu.memory_space<vmem>>, %arg5: memref<64x64xf32, #tpu.memory_space<vmem>>, %arg6: memref<10000x64xf32, #tpu.memory_space<vmem>>) attributes {dimension_semantics = [], scalar_prefetch = 0 : i64, scratch_operands = 0 : i64, tpu.core_type = #tpu.core_type<tc>} {
    %get3A = arith.constant 0 : index
    %get3A_0 = arith.constant 0 : index
    %get3A_1 = vector.load %arg0[%get3A, %get3A_0] : memref<10000x64xf32, #tpu.memory_space<vmem>>, vector<10000x64xf32>
    %get3A_2 = arith.constant 0 : index
    %get3A_3 = arith.constant 0 : index
    %get3A_4 = arith.constant 0 : index
    %get3A_5 = vector.load %arg1[%get3A_2, %get3A_3, %get3A_4] : memref<2x10000x64xf32, #tpu.memory_space<vmem>>, vector<1x10000x64xf32>
    %get3A_6 = vector.shape_cast %get3A_5 : vector<1x10000x64xf32> to vector<10000x64xf32>
    %add3A = arith.addf %get3A_1, %get3A_6 : vector<10000x64xf32>
    %get3A_7 = arith.constant 1 : index
    %get3A_8 = arith.constant 0 : index
    %get3A_9 = arith.constant 0 : index
    %get3A_10 = vector.load %arg1[%get3A_7, %get3A_8, %get3A_9] : memref<2x10000x64xf32, #tpu.memory_space<vmem>>, vector<1x10000x64xf32>
    %get3A_11 = vector.shape_cast %get3A_10 : vector<1x10000x64xf32> to vector<10000x64xf32>
    %add3A_12 = arith.addf %add3A, %get3A_11 : vector<10000x64xf32>
    %get3A_13 = arith.constant 0 : index
    %get3A_14 = arith.constant 0 : index
    %get3A_15 = vector.load %arg2[%get3A_13, %get3A_14] : memref<1x64xf32, #tpu.memory_space<vmem>>, vector<1x64xf32>
    %add3A_16 = vector.broadcast %get3A_15 : vector<1x64xf32> to vector<10000x64xf32>
    %add3A_17 = arith.addf %add3A_12, %add3A_16 : vector<10000x64xf32>
    %max3A = arith.constant 0.000000e+00 : f32
    %max3A_18 = vector.broadcast %max3A : f32 to vector<10000x64xf32>
    %max3A_19 = arith.maximumf %add3A_17, %max3A_18 : vector<10000x64xf32>
    %get3A_20 = arith.constant 0 : index
    %get3A_21 = arith.constant 0 : index
    %get3A_22 = vector.load %arg3[%get3A_20, %get3A_21] : memref<64x64xf32, #tpu.memory_space<vmem>>, vector<64x64xf32>
    %dot_general3A = arith.constant dense<0.000000e+00> : vector<10000x64xf32>
    %dot_general3A_23 = tpu.matmul %max3A_19, %get3A_22, %dot_general3A {dimension_numbers = #tpu.dot_dimension_numbers<[1], [0], [0], [1], [0, 0, 1, 1], [], []>, transpose_lhs_hint = false} : vector<10000x64xf32>, vector<64x64xf32>, vector<10000x64xf32> -> vector<10000x64xf32>
    %get3A_24 = arith.constant 0 : index
    %get3A_25 = arith.constant 0 : index
    %get3A_26 = vector.load %arg4[%get3A_24, %get3A_25] : memref<1x64xf32, #tpu.memory_space<vmem>>, vector<1x64xf32>
    %add3A_27 = vector.broadcast %get3A_26 : vector<1x64xf32> to vector<10000x64xf32>
    %add3A_28 = arith.addf %dot_general3A_23, %add3A_27 : vector<10000x64xf32>
    %max3A_29 = arith.constant 0.000000e+00 : f32
    %max3A_30 = vector.broadcast %max3A_29 : f32 to vector<10000x64xf32>
    %max3A_31 = arith.maximumf %add3A_28, %max3A_30 : vector<10000x64xf32>
    %get3A_32 = arith.constant 0 : index
    %get3A_33 = arith.constant 0 : index
    %get3A_34 = vector.load %arg5[%get3A_32, %get3A_33] : memref<64x64xf32, #tpu.memory_space<vmem>>, vector<64x64xf32>
    %dot_general3A_35 = arith.constant dense<0.000000e+00> : vector<10000x64xf32>
    %dot_general3A_36 = tpu.matmul %max3A_31, %get3A_34, %dot_general3A_35 {dimension_numbers = #tpu.dot_dimension_numbers<[1], [0], [0], [1], [0, 0, 1, 1], [], []>, transpose_lhs_hint = false} : vector<10000x64xf32>, vector<64x64xf32>, vector<10000x64xf32> -> vector<10000x64xf32>
    %swap3A = arith.constant 0 : index
    %swap3A_37 = arith.constant 0 : index
    %swap3A_38 = vector.load %arg6[%swap3A, %swap3A_37] : memref<10000x64xf32, #tpu.memory_space<vmem>>, vector<10000x64xf32>
    tpu.vector_store %arg6[%swap3A, %swap3A_37], %dot_general3A_36 {strides = array<i32>} : memref<10000x64xf32, #tpu.memory_space<vmem>>, vector<10000x64xf32>,
    return
  }
}

module attributes {stable_mosaic.version = 14 : i64} {
  func.func @_d3_body(%arg0: memref<10000x64xf32, #tpu.memory_space<vmem>>, %arg1: memref<2x10000x64xf32, #tpu.memory_space<vmem>>, %arg2: memref<1x64xf32, #tpu.memory_space<vmem>>, %arg3: memref<64x64xf32, #tpu.memory_space<vmem>>, %arg4: memref<1x64xf32, #tpu.memory_space<vmem>>, %arg5: memref<64x64xf32, #tpu.memory_space<vmem>>, %arg6: memref<1x64xf32, #tpu.memory_space<vmem>>, %arg7: memref<10000x64xf32, #tpu.memory_space<vmem>>) attributes {dimension_semantics = [], scalar_prefetch = 0 : i64, scratch_operands = 0 : i64, tpu.core_type = #tpu.core_type<tc>} {
    %get3A = arith.constant 0 : index
    %get3A_0 = arith.constant 0 : index
    %get3A_1 = vector.load %arg0[%get3A, %get3A_0] : memref<10000x64xf32, #tpu.memory_space<vmem>>, vector<10000x64xf32>
    %get3A_2 = arith.constant 0 : index
    %get3A_3 = arith.constant 0 : index
    %get3A_4 = arith.constant 0 : index
    %get3A_5 = vector.load %arg1[%get3A_2, %get3A_3, %get3A_4] : memref<2x10000x64xf32, #tpu.memory_space<vmem>>, vector<1x10000x64xf32>
    %get3A_6 = vector.shape_cast %get3A_5 : vector<1x10000x64xf32> to vector<10000x64xf32>
    %add3A = arith.addf %get3A_1, %get3A_6 : vector<10000x64xf32>
    %get3A_7 = arith.constant 1 : index
    %get3A_8 = arith.constant 0 : index
    %get3A_9 = arith.constant 0 : index
    %get3A_10 = vector.load %arg1[%get3A_7, %get3A_8, %get3A_9] : memref<2x10000x64xf32, #tpu.memory_space<vmem>>, vector<1x10000x64xf32>
    %get3A_11 = vector.shape_cast %get3A_10 : vector<1x10000x64xf32> to vector<10000x64xf32>
    %add3A_12 = arith.addf %add3A, %get3A_11 : vector<10000x64xf32>
    %get3A_13 = arith.constant 0 : index
    %get3A_14 = arith.constant 0 : index
    %get3A_15 = vector.load %arg2[%get3A_13, %get3A_14] : memref<1x64xf32, #tpu.memory_space<vmem>>, vector<1x64xf32>
    %add3A_16 = vector.broadcast %get3A_15 : vector<1x64xf32> to vector<10000x64xf32>
    %add3A_17 = arith.addf %add3A_12, %add3A_16 : vector<10000x64xf32>
    %max3A = arith.constant 0.000000e+00 : f32
    %max3A_18 = vector.broadcast %max3A : f32 to vector<10000x64xf32>
    %max3A_19 = arith.maximumf %add3A_17, %max3A_18 : vector<10000x64xf32>
    %get3A_20 = arith.constant 0 : index
    %get3A_21 = arith.constant 0 : index
    %get3A_22 = vector.load %arg3[%get3A_20, %get3A_21] : memref<64x64xf32, #tpu.memory_space<vmem>>, vector<64x64xf32>
    %dot_general3A = arith.constant dense<0.000000e+00> : vector<10000x64xf32>
    %dot_general3A_23 = tpu.matmul %max3A_19, %get3A_22, %dot_general3A {dimension_numbers = #tpu.dot_dimension_numbers<[1], [0], [0], [1], [0, 0, 1, 1], [], []>, transpose_lhs_hint = false} : vector<10000x64xf32>, vector<64x64xf32>, vector<10000x64xf32> -> vector<10000x64xf32>
    %get3A_24 = arith.constant 0 : index
    %get3A_25 = arith.constant 0 : index
    %get3A_26 = vector.load %arg4[%get3A_24, %get3A_25] : memref<1x64xf32, #tpu.memory_space<vmem>>, vector<1x64xf32>
    %add3A_27 = vector.broadcast %get3A_26 : vector<1x64xf32> to vector<10000x64xf32>
    %add3A_28 = arith.addf %dot_general3A_23, %add3A_27 : vector<10000x64xf32>
    %max3A_29 = arith.constant 0.000000e+00 : f32
    %max3A_30 = vector.broadcast %max3A_29 : f32 to vector<10000x64xf32>
    %max3A_31 = arith.maximumf %add3A_28, %max3A_30 : vector<10000x64xf32>
    %get3A_32 = arith.constant 0 : index
    %get3A_33 = arith.constant 0 : index
    %get3A_34 = vector.load %arg5[%get3A_32, %get3A_33] : memref<64x64xf32, #tpu.memory_space<vmem>>, vector<64x64xf32>
    %dot_general3A_35 = arith.constant dense<0.000000e+00> : vector<10000x64xf32>
    %dot_general3A_36 = tpu.matmul %max3A_31, %get3A_34, %dot_general3A_35 {dimension_numbers = #tpu.dot_dimension_numbers<[1], [0], [0], [1], [0, 0, 1, 1], [], []>, transpose_lhs_hint = false} : vector<10000x64xf32>, vector<64x64xf32>, vector<10000x64xf32> -> vector<10000x64xf32>
    %get3A_37 = arith.constant 0 : index
    %get3A_38 = arith.constant 0 : index
    %get3A_39 = vector.load %arg6[%get3A_37, %get3A_38] : memref<1x64xf32, #tpu.memory_space<vmem>>, vector<1x64xf32>
    %add3A_40 = vector.broadcast %get3A_39 : vector<1x64xf32> to vector<10000x64xf32>
    %add3A_41 = arith.addf %dot_general3A_36, %add3A_40 : vector<10000x64xf32>
    %reduce_max3A = arith.constant dense<0xFF800000> : vector<10000xf32>
    %reduce_max3A_42 = vector.multi_reduction <maximumf>, %add3A_41, %reduce_max3A [1] : vector<10000x64xf32> to vector<10000xf32>
    %broadcast_in_dim3A = vector.shape_cast %reduce_max3A_42 : vector<10000xf32> to vector<10000x1xf32>
    %sub3A = vector.broadcast %broadcast_in_dim3A : vector<10000x1xf32> to vector<10000x64xf32>
    %sub3A_43 = arith.subf %add3A_41, %sub3A : vector<10000x64xf32>
    %exp3A = math.exp %sub3A_43 : vector<10000x64xf32>
    %reduce_sum3A = arith.constant dense<0.000000e+00> : vector<10000xf32>
    %reduce_sum3A_44 = vector.multi_reduction <add>, %exp3A, %reduce_sum3A [1] : vector<10000x64xf32> to vector<10000xf32>
    %broadcast_in_dim3A_45 = vector.shape_cast %reduce_sum3A_44 : vector<10000xf32> to vector<10000x1xf32>
    %log3A = math.log %broadcast_in_dim3A_45 : vector<10000x1xf32>
    %sub3A_46 = vector.broadcast %log3A : vector<10000x1xf32> to vector<10000x64xf32>
    %sub3A_47 = arith.subf %sub3A_43, %sub3A_46 : vector<10000x64xf32>
    %swap3A = arith.constant 0 : index
    %swap3A_48 = arith.constant 0 : index
    %swap3A_49 = vector.load %arg7[%swap3A, %swap3A_48] : memref<10000x64xf32, #tpu.memory_space<vmem>>, vector<10000x64xf32>
    tpu.vector_store %arg7[%swap3A, %swap3A_48], %sub3A_47 {strides = array<i32>} : memref<10000x64xf32, #tpu.memory_space<vmem>>, vector<10000x64xf32>,
    return
  }
}

</mosaic_0001>

<sc_bundles>
// kernel: kernel.10.cloned.1.call-start
scs
__scs_entry_jumppad:
0x0: {  	(pc) =	sbr.rel $0x88, $3  }
0x1: {  	(tag) =	ssettag $0x0;
	lr =	simm.s32 $0x1  }
0x2: {  	[smem:$0x3F95] =	sst lr;
	_ =	strace $0xD0000000  }
0x3: {  	_ = 	snop  }
0x4: {  	_ = 	snop  }
0x5: {  	_ = 	snop  }
0x6: {  	_ = 	snop  }
0x7: {  	_ = 	snop  }
__scs_overlays_trampoline_lowered:
0x8: {  	[smem:$0x3FA4] =	sst s0  }
0x9: {  	[smem:$0x3FA5] =	sst s1  }
0xa: {  	[smem:$0x3FA6] =	sst s2  }
0xb: {  	[smem:$0x3FA7] =	sst s3  }
0xc: {  	[smem:$0x3FA8] =	sst s4  }
0xd: {  	[smem:$0x3FA9] =	sst s5  }
0xe: {  	[smem:$0x3FAA] =	sst s6  }
0xf: {  	[smem:$0x3FAB] =	sst s7  }
0x10: {  	[smem:$0x3FAC] =	sst s8  }
0x11: {  	[smem:$0x3FAD] =	sst s9;
	s0 =	simm.s32 @!p0 $0x0  }
0x12: {  	s1 =	sld [smem:$0x3F93];
	s0 =	simm.s32 @p0 $0x1  }
0x13: {  	[smem:$0x3FAE] =	sst s0;
	s0 =	simm.s32 @!p1 $0x0  }
0x14: {  	s2 =	sld [smem:$0x3F92];
	s0 =	simm.s32 @p1 $0x1  }
0x15: {  	[smem:$0x3FAF] =	sst s0;
	s0 =	simm.s32 @!p2 $0x0  }
0x16: {  	s3 =	sld [smem:$0x3FDB];
	s0 =	simm.s32 @p2 $0x1  }
0x17: {  	s4 =	simm.s32 $0x1BF5;
	[smem:$0x3FB1] =	sst s0  }
0x18: {  	s0 =	sld [smem:$0x3F94];
	_ =	swait.ge [sflag:s4], $0x0  }
0x19: {  	s7 =	sld [smem:$0x3F95]  }
0x1a: {  	s8 =	sadd.s32 $0xFFFFE003, lr  }
0x1b: {  	s9 =	sadd.s32 $0xFFFFFEF7, lr;
	s5 =	simm.s32 $0xFFFFFFFF;
	p2 =	slt.u32 s8, $0xFFFFF086  }
0x1c: {  	p1 =	slt.u32 s9, $0xF7A;
	s5 =	simm.s32 @!p2 $0x0  }
0x1d: {  	s5 =	simm.s32 @p1 $0x1;
	p0 =	seq.s32 s7, s2  }
0x1e: {  	s7 =	smul.u32 @!p0 $0xF7A, s2;
	p2 =	seq.s32 @!p0 s5, $0x0  }
0x1f: {  	s9 =	smul.u32 $0xF7A, s1;
	s8 =	simm.s32 @!p0 $0x1BF5;
	p2 =	por !p2, p0  }
0x20: {  	[sflag:s8] =	ssyncset.s32 @!p0 $0xFFFFF086;
	s6 =	sadd.s32 @!p0 s3, s7;
	s7 =	simm.s32 @!p0 $0x108  }
0x21: {  	s3 =	sadd.s32 s3, s9;
	s6 =	sadd.s32 @!p0 $0x88, s6;
	s7 =	simm.s32 @p2 $0x1082  }
0x22: {  	[simem:s7], [sflag:s8] =	dma.local @!p0 [hbm:s6], $0xF7A  }
0x23: {  	s9 =	sor.u32 $0xD0000000, s2;
	s6 =	simm.s32 $0x108;
	_ =	swait.ge @!p0 [sflag:s8], $0x0  }
0x24: {  	s3 =	sadd.s32 $0x88, s3;
	s6 =	simm.s32 @!p1 $0x1082;
	[sflag:s4] =	ssyncset.s32 $0xFFFFF086  }
0x25: {  	[simem:s6], [sflag:s4] =	dma.local [hbm:s3], $0xF7A  }
0x26: {  	[smem:$0x3F95] =	sst s1;
	(tag) =	ssettag s2;
	_ =	strace s9  }
0x27: {  	s1 =	sld [smem:$0x3FA5]  }
0x28: {  	s2 =	sld [smem:$0x3FA6]  }
0x29: {  	s4 =	sld [smem:$0x3FA8]  }
0x2a: {  	p0 =	seq.s32 s5, $0x0;
	s5 =	sld [smem:$0x3FA9]  }
0x2b: {  	s6 =	sld [smem:$0x3FAA]  }
0x2c: {  	s7 =	sld [smem:$0x3FAB]  }
0x2d: {  	s3 =	simm.s32 $0x108;
	s8 =	sld [smem:$0x3FAC]  }
0x2e: {  	s3 =	simm.s32 @!p0 $0x1082;
	s9 =	sld [smem:$0x3FAD]  }
0x2f: {  	lr =	sadd.s32 s0, s3;
	s0 =	sld [smem:$0x3FA4]  }
0x30: {  	s3 =	sld [smem:$0x3FA7]  }
0x31: {  	[smem:$0x3FB0] =	sst s10  }
0x32: {  	s10 =	sld [smem:$0x3FAE];
	_ =	sdelay $0x3  }
0x33: {  	p0 =	seq.s32 s10, $0x1;
	s10 =	sld [smem:$0x3FB0];
	_ =	sdelay $0x3  }
0x34: {  	[smem:$0x3FB0] =	sst s10  }
0x35: {  	s10 =	sld [smem:$0x3FAF];
	_ =	sdelay $0x3  }
0x36: {  	p1 =	seq.s32 s10, $0x1;
	s10 =	sld [smem:$0x3FB0];
	_ =	sdelay $0x3  }
0x37: {  	[smem:$0x3FB0] =	sst s10  }
0x38: {  	s10 =	sld [smem:$0x3FB1]  }
0x39: {  	_ = 	snop;
	(pc) =	sbr.ind lr, $3  }
0x3a: {  	_ = 	snop  }
0x3b: {  	_ = 	snop  }
0x3c: {  	p2 =	seq.s32 s10, $0x1;
	s10 =	sld [smem:$0x3FB0]  }
0x3d: {  	_ =	shalt  }
0x3e: {  	_ =	shalt  }
0x3f: {  	_ =	shalt  }
0x40: {  	_ =	shalt  }
0x41: {  	_ =	shalt  }
0x42: {  	_ =	shalt  }
0x43: {  	_ =	shalt  }
0x44: {  	_ =	shalt  }
0x45: {  	_ =	shalt  }
0x46: {  	_ =	shalt  }
0x47: {  	_ =	shalt  }
0x48: {  	_ =	shalt  }
0x49: {  	_ =	shalt  }
0x4a: {  	_ =	shalt  }
0x4b: {  	_ =	shalt  }
0x4c: {  	_ =	shalt  }
0x4d: {  	_ =	shalt  }
0x4e: {  	_ =	shalt  }
0x4f: {  	_ =	shalt  }
0x50: {  	_ =	shalt  }
0x51: {  	_ =	shalt  }
0x52: {  	_ =	shalt  }
0x53: {  	_ =	shalt  }
0x54: {  	_ =	shalt  }
0x55: {  	_ =	shalt  }
0x56: {  	_ =	shalt  }
0x57: {  	_ =	shalt  }
0x58: {  	_ =	shalt  }
0x59: {  	_ =	shalt  }
0x5a: {  	_ =	shalt  }
0x5b: {  	_ =	shalt  }
0x5c: {  	_ =	shalt  }
0x5d: {  	_ =	shalt  }
0x5e: {  	_ =	shalt  }
0x5f: {  	_ =	shalt  }
0x60: {  	_ =	shalt  }
0x61: {  	_ =	shalt  }
0x62: {  	_ =	shalt  }
0x63: {  	_ =	shalt  }
0x64: {  	_ =	shalt  }
0x65: {  	_ =	shalt  }
0x66: {  	_ =	shalt  }
0x67: {  	_ =	shalt  }
0x68: {  	_ =	shalt  }
0x69: {  	_ =	shalt  }
0x6a: {  	_ =	shalt  }
0x6b: {  	_ =	shalt  }
0x6c: {  	_ =	shalt  }
0x6d: {  	_ =	shalt  }
0x6e: {  	_ =	shalt  }
0x6f: {  	_ =	shalt  }
0x70: {  	_ =	shalt  }
0x71: {  	_ =	shalt  }
0x72: {  	_ =	shalt  }
0x73: {  	_ =	shalt  }
0x74: {  	_ =	shalt  }
0x75: {  	_ =	shalt  }
0x76: {  	_ =	shalt  }
0x77: {  	_ =	shalt  }
0x78: {  	_ =	shalt  }
0x79: {  	_ =	shalt  }
0x7a: {  	_ =	shalt  }
0x7b: {  	_ =	shalt  }
0x7c: {  	_ =	shalt  }
0x7d: {  	_ =	shalt  }
0x7e: {  	_ =	shalt  }
0x7f: {  	_ =	shalt  }
0x80: {  	_ =	shalt  }
0x81: {  	_ =	shalt  }
0x82: {  	_ =	shalt  }
0x83: {  	_ =	shalt  }
0x84: {  	_ =	shalt  }
0x85: {  	_ =	shalt  }
0x86: {  	_ =	shalt  }
0x87: {  	_ =	shalt  }
.Lfunc_end0:
.L_simem_size_0:
called_computation.1_lowered:
.L_overlay_start_0:
0x88: {  	s2 =	sld [smem:$0x3FD9]  }
0x89: {  	s3 =	sld [smem:$0x3FFE];
	_ =	sdelay $0x1  }
0x8a: {  	s1 =	srdreg.scid  }
0x8b: {  	s0 =	sand.u32 $0x1, s1  }
0x8c: {  	s17 =	sshll.u32 s0, $0xA;
	s2 =	sadd.s32 s3, s2  }
0x8d: {  	s2 =	sadd.s32 s2, s17  }
0x8e: {  	[smem:$0x3FBC] =	sst s2  }
0x8f: {  	_ = 	snop  }
0x90: {  	s2 =	sld [smem:$0x3FD0];
	(tm) =	ssettm $0x1  }
0x91: {  	s18 =	sld [smem:$0x3FFB];
	_ =	sdelay $0x3  }
0x92: {  	_ =	strace s18  }
0x93: {  	s3 =	sld [smem:$0x3FFC];
	_ =	sdelay $0x3  }
0x94: {  	_ =	strace s3  }
0x95: {  	s3 =	sld [smem:$0x3FFD];
	_ =	sdelay $0x3  }
0x96: {  	_ =	strace s3  }
0x97: {  	_ =	strace $0x8FFFFFFF  }
0x98: {  	s19 =	sld [smem:$0x3FDB];
	_ =	sdelay $0x1  }
0x99: {  	s4 =	simm.s32 $_scs_section_size  }
0x9a: {  	s5 =	simm.s32 $_size__tile_overlayer_lowered;
	s6 =	simm.s32 $_tile_overlayer_lowered  }
0x9b: {  	s22 =	simm.s32 $0x1BFF;
	s21 =	sshll.u32 s6, $0x1;
	s3 =	sadd.s32 s4, s19  }
0x9c: {  	s7 =	simm.s32 $0x0;
	s20 =	sshll.u32 s5, $0x1;
	s5 =	sadd.s32 s21, s3  }
0x9d: {  	[timem:s7], [sflag:s22] =	dma.local [hbm:s5], s20  }
0x9e: {  	_ =	swait.ge [sflag:s22], s20  }
0x9f: {  	s4 =	ssub.s32 $0x0, s20;
	[sflag:s22] =	ssyncset.done $0x0  }
0xa0: {  	[sflag:s22] =	ssyncadd.s32 s4;
	_ =	sdelay $0x1  }
0xa1: {  	s23 =	simm.s32 $0x1B8B  }
0xa2: {  	_ =	swait.ge [sflag:s23], $0x1  }
0xa3: {  	[sflag:s23] =	ssyncset.done $0x0  }
0xa4: {  	s25 =	simm.s32 $0x1B8E;
	s24 =	sld [smem:$0x3FFE];
	[sflag:s23] =	ssyncadd.s32 $0xFFFFFFFF  }
0xa5: {  	s26 =	simm.s32 $execute0_lowered;
	[smem:$0x3FD2] =	sst s25  }
0xa6: {  	s5 =	sshll.u32 s26, $0x1;
	_ =	strace $0x80000049;
	[dreg:$0x1] =	wrdreg $0xFFFFFFFF  }
0xa7: {  	s28 =	simm.s32 $_size_execute0_lowered;
	s3 =	sadd.s32 s3, s5;
	[dreg:$0x0] =	wrdreg $0x0  }
0xa8: {  	s5 =	sshll.u32 s28, $0x1;
	[dreg:$0x2] =	wrdreg s3  }
0xa9: {  	[dreg:$0x3] =	wrdreg s5  }
0xaa: {  	[dreg:$0x4] =	wrdreg $0xC0  }
0xab: {  	_ =	task [dreg:s7], $0x5FFFF  }
0xac: {  	[dreg:$0x1] =	wrdreg $0xFFFFFFFF  }
0xad: {  	[dreg:$0x0] =	wrdreg $0x60  }
0xae: {  	[dreg:$0x2] =	wrdreg s24  }
0xaf: {  	[dreg:$0x3] =	wrdreg s2  }
0xb0: {  	[dreg:$0x4] =	wrdreg $0xB2200  }
0xb1: {  	[dreg:$0x5] =	wrdreg $0x9  }
0xb2: {  	_ =	task.clear_ibuf [dreg:s7], $0x6FFFF;
	_ =	strace $0x90000049  }
0xb3: {  	s29 =	simm.s32 $0x9;
	_ =	strace $0x8000004B  }
0xb4: {  	_ =	swait.ge [sflag:s29], $0x1  }
0xb5: {  	[sflag:s29] =	ssyncadd.s32 $0xFFFFFFFF  }
0xb6: {  	_ =	strace $0x9000004B  }
0xb7: {  	_ =	sfence  }
0xb8: {  	s30 =	sld [smem:$0x0];
	_ =	sdelay $0x2  }
0xb9: {  	s31 =	sshll.u32 s1, $0xD;
	s1 =	sshrl.u32 s1, $0x2  }
0xba: {  	s3 =	sand.u32 $0x4000, s31;
	s1 =	sadd.s32 s1, s30  }
0xbb: {  	s0 =	sor.u32 s3, s0;
	s1 =	sshll.u32 s1, $0x11  }
0xbc: {  	s0 =	sor.u32 s1, s0  }
0xbd: {  	s0 =	sadd.s32 $0x8F2B, s0  }
0xbe: {  	[sflag:s0] =	ssyncadd.remote.s32 $0x1  }
0xbf: {  	_ =	sfence.sel $0xFFFF  }
0xc0: {  	[dreg:$0x0] =	wrdreg $0xFFFFFFFF;
	(pc) =	sbr.abs _section_cstart, $3  }
0xc1: {  	[dreg:$0x1] =	wrdreg $0xFFFFFFFF  }
0xc2: {  	_ =	task.clear_ibuf [dreg:s7], $0x2FFFF;
	_ =	strace $0x9FFFFFFF  }
0xc3: {  	(tm) =	ssettm $0x7FFFFFFF  }
tec
execute0_lowered:
.L_overlay_start_1:
0x0: {  	(tag) =	ssettag $0x1  }
0x1: {  	s0 =	srdreg.scid  }
0x2: {  	s10 =	stileid.u32;
	s1 =	rddreg [dreg:$0x0]  }
0x3: {  	s7 =	rddreg [dreg:$0x1];
	s13 =	simm.s32 $0x6;
	s14 =	simm.s32 $0x1  }
0x4: {  	s15 =	simm.s32 $0x2;
	s16 =	simm.s32 $0x50;
	s17 =	simm.s32 $0x4E20  }
0x5: {  	s18 =	simm.s32 $0x6220;
	s20 =	simm.s32 $0x7620;
	s22 =	simm.s32 $0x8A20  }
0x6: {  	s23 =	simm.s32 $0x9E20;
	s24 =	simm.s32 $0x3;
	s25 =	simm.s32 $0x4  }
0x7: {  	s31 =	simm.s32 $0x4D30;
	s0 =	sand.u32 $0x1, s0;
	s6 =	smul.u32 $0x13C0, s10  }
0x8: {  	s2 =	sshll.u32 s10, $0x1;
	s4 =	sadd.s32 $0x15200, s1;
	s29 =	smul.u32 $0x9E00, s10  }
0x9: {  	s30 =	sshll.u32 s10, $0x6;
	s3 =	sor.u32 s0, s2;
	s8 =	smul.u32 $0x13C00, s0  }
0xa: {  	s2 =	rddreg [dreg:$0x2];
	s0 =	ssub.s32 $0x2, s0;
	s5 =	smul.u32 $0x4E2, s3  }
0xb: {  	s3 =	simm.s32 $0x0;
	s28 =	sshrl.u32 s0, $0x1;
	s11 =	sadd.s32 s29, s2  }
0xc: {  	[smem:$0x7FF] =	sst s3;
	s26 =	sadd.s32 s6, s8;
	s0 =	ssub.s32 s0, s28  }
0xd: {  	s8 =	sshrl.u32 s29, $0x3;
	s12 =	sshrl.u32 s11, $0x3;
	s11 =	simm.s32 $0x0  }
0xe: {  	_ =	strace $0x8000004A;
	s9 =	sadd.s32 s5, s1;
	s1 =	sadd.s32 s26, s1  }
0xf: {  	s7 =	sadd.s32 s7, s8;
	s8 =	sor.u32 $0x1C06, s30;
	s10 =	smax.u32 s0, $0x1  }
0x10: {  	s26 =	simm.s32 $0x5;
	s0 =	simm.s32 $0x4DD0;
	s5 =	sadd.s32 $0xB400, s9  }
0x11: {  	s6 =	sadd.s32 $0x1600, s9;
	s9 =	sadd.s32 $0x28C00, s1;
	s1 =	simm.s32 $0x4D80  }
.LBB2_1:
0x12: {  	[tilespmem:s3], [sflag:$0x1] =	stream.linear.gather [hbm4b:s5+s3], $0x2710, $0x38;
	[tilespmem:$0x15020] =	vst v63  }
0x13: {  	s19 =	simm.s32 $0x2710  }
0x14: {  	[tilespmem:s19], [sflag:$0x2] =	stream.linear.gather [hbm4b:s6+s3], $0x2710, $0x38;
	[tilespmem:$0x15020] =	vst v63  }
0x15: {  	[spmem:s12], [sflag:s8] =	dma.local [hbm:s7], $0x13C0  }
0x16: {  	_ =	swait.ge [sflag:s13], $0x13C0  }
0x17: {  	[sflag:s13] =	ssyncset.done $0x0  }
0x18: {  	[sflag:s13] =	ssyncadd.s32 $0xFFFFEC40  }
0x19: {  	_ =	swait.ge [sflag:s14], $0x2710  }
0x1a: {  	[sflag:s14] =	ssyncset.done $0x0  }
0x1b: {  	[sflag:s14] =	ssyncadd.s32 $0xFFFFD8F0  }
0x1c: {  	_ =	swait.ge [sflag:s15], $0x2710  }
0x1d: {  	[sflag:s15] =	ssyncset.done $0x0  }
0x1e: {  	[sflag:s15] =	ssyncadd.s32 $0xFFFFD8F0  }
0x1f: {  	[bflag:$0x0] =	sbarrier.arrive $0xFFFF  }
0x20: {  	[tilespmem:s17], [sflag:$0x1] =	stream.indirect.gather [hbm4b:s4+s16], $0x40, s3, s16, $0xb8;
	[tilespmem:$0x15020] =	vst v63  }
0x21: {  	_ = 	snop  }
0x22: {  	[tilespmem:s18], [sflag:$0x2] =	stream.indirect.gather [hbm4b:s4+s16], $0x40, s16, s16, $0xb8;
	[tilespmem:$0x15020] =	vst v63  }
0x23: {  	s21 =	simm.s32 $0xA0  }
0x24: {  	[tilespmem:s20], [sflag:$0x3] =	stream.indirect.gather [hbm4b:s4+s16], $0x40, s21, s16, $0xb8;
	[tilespmem:$0x15020] =	vst v63  }
0x25: {  	s28 =	simm.s32 $0xF0  }
0x26: {  	[tilespmem:s22], [sflag:$0x4] =	stream.indirect.gather [hbm4b:s4+s16], $0x40, s28, s16, $0xb8;
	[tilespmem:$0x15020] =	vst v63  }
0x27: {  	s29 =	simm.s32 $0x140  }
0x28: {  	[tilespmem:s23], [sflag:$0x5] =	stream.indirect.gather [hbm4b:s4+s16], $0x40, s29, s16, $0xb8;
	[tilespmem:$0x15020] =	vst v63  }
0x29: {  	_ =	swait.ge [sflag:s14], $0x1400  }
0x2a: {  	[sflag:s14] =	ssyncset.done $0x0  }
0x2b: {  	s30 =	simm.s32 $0x2710;
	[sflag:s14] =	ssyncadd.s32 $0xFFFFEC00  }
0x2c: {  	[spmem:s2] =	stream.indirect.scatter.add.f32 [tilespmem:s17], [sflag:$0x6], $0x40, s30, s16, $0xb8;
	[tilespmem:$0x15020] =	vst v63  }
0x2d: {  	_ =	swait.ge [sflag:s13], $0x1400  }
0x2e: {  	[sflag:s13] =	ssyncset.done $0x0  }
0x2f: {  	s21 =	simm.s32 $0x190;
	[sflag:s13] =	ssyncadd.s32 $0xFFFFEC00  }
0x30: {  	[tilespmem:s17], [sflag:$0x1] =	stream.indirect.gather [hbm4b:s4+s16], $0x40, s21, s16, $0xb8;
	[tilespmem:$0x15020] =	vst v63  }
0x31: {  	_ =	swait.ge [sflag:s15], $0x1400  }
0x32: {  	[sflag:s15] =	ssyncset.done $0x0  }
0x33: {  	s28 =	simm.s32 $0x2760;
	[sflag:s15] =	ssyncadd.s32 $0xFFFFEC00  }
0x34: {  	[spmem:s2] =	stream.indirect.scatter.add.f32 [tilespmem:s18], [sflag:$0x6], $0x40, s28, s16, $0xb8;
	[tilespmem:$0x15020] =	vst v63  }
0x35: {  	_ =	swait.ge [sflag:s13], $0x1400  }
0x36: {  	[sflag:s13] =	ssyncset.done $0x0  }
0x37: {  	s29 =	simm.s32 $0x1E0;
	[sflag:s13] =	ssyncadd.s32 $0xFFFFEC00  }
0x38: {  	[tilespmem:s18], [sflag:$0x2] =	stream.indirect.gather [hbm4b:s4+s16], $0x40, s29, s16, $0xb8;
	[tilespmem:$0x15020] =	vst v63  }
0x39: {  	_ =	swait.ge [sflag:s24], $0x1400  }
0x3a: {  	[sflag:s24] =	ssyncset.done $0x0  }
0x3b: {  	s30 =	simm.s32 $0x27B0;
	[sflag:s24] =	ssyncadd.s32 $0xFFFFEC00  }
0x3c: {  	[spmem:s2] =	stream.indirect.scatter.add.f32 [tilespmem:s20], [sflag:$0x6], $0x40, s30, s16, $0xb8;
	[tilespmem:$0x15020] =	vst v63  }
0x3d: {  	_ =	swait.ge [sflag:s13], $0x1400  }
0x3e: {  	[sflag:s13] =	ssyncset.done $0x0  }
0x3f: {  	s21 =	simm.s32 $0x230;
	[sflag:s13] =	ssyncadd.s32 $0xFFFFEC00  }
0x40: {  	[tilespmem:s20], [sflag:$0x3] =	stream.indirect.gather [hbm4b:s4+s16], $0x40, s21, s16, $0xb8;
	[tilespmem:$0x15020] =	vst v63  }
0x41: {  	_ =	swait.ge [sflag:s25], $0x1400  }
0x42: {  	[sflag:s25] =	ssyncset.done $0x0  }
0x43: {  	s28 =	simm.s32 $0x2800;
	[sflag:s25] =	ssyncadd.s32 $0xFFFFEC00  }
0x44: {  	[spmem:s2] =	stream.indirect.scatter.add.f32 [tilespmem:s22], [sflag:$0x6], $0x40, s28, s16, $0xb8;
	[tilespmem:$0x15020] =	vst v63  }
0x45: {  	_ =	swait.ge [sflag:s13], $0x1400  }
0x46: {  	[sflag:s13] =	ssyncset.done $0x0  }
0x47: {  	s29 =	simm.s32 $0x280;
	[sflag:s13] =	ssyncadd.s32 $0xFFFFEC00  }
0x48: {  	[tilespmem:s22], [sflag:$0x4] =	stream.indirect.gather [hbm4b:s4+s16], $0x40, s29, s16, $0xb8;
	[tilespmem:$0x15020] =	vst v63  }
0x49: {  	_ =	swait.ge [sflag:s26], $0x1400  }
0x4a: {  	[sflag:s26] =	ssyncset.done $0x0  }
0x4b: {  	s30 =	simm.s32 $0x2850;
	[sflag:s26] =	ssyncadd.s32 $0xFFFFEC00  }
0x4c: {  	[spmem:s2] =	stream.indirect.scatter.add.f32 [tilespmem:s23], [sflag:$0x6], $0x40, s30, s16, $0xb8;
	[tilespmem:$0x15020] =	vst v63  }
0x4d: {  	_ =	swait.ge [sflag:s13], $0x1400  }
0x4e: {  	s19 =	simm.s32 $0x190;
	s21 =	simm.s32 $0xC80;
	[sflag:s13] =	ssyncset.done $0x0  }
.LBB2_2:
0x4f: {  	s30 =	sadd.s32 $0x140, s19  }
0x50: {  	[sflag:s13] =	ssyncadd.s32 $0xFFFFEC00;
	s28 =	smov.u32 s21;
	s29 =	sadd.s32 $0x640, s21  }
0x51: {  	[tilespmem:s23], [sflag:$0x5] =	stream.indirect.gather [hbm4b:s4+s16], $0x40, s30, s16, $0xb8;
	[tilespmem:$0x15020] =	vst v63  }
0x52: {  	p0 =	sne.s32 s21, $0x8FC0;
	_ =	swait.ge [sflag:s14], $0x1400  }
0x53: {  	[sflag:s14] =	ssyncset.done $0x0  }
0x54: {  	s21 =	sadd.s32 $0x2710, s19;
	[sflag:s14] =	ssyncadd.s32 $0xFFFFEC00  }
0x55: {  	[spmem:s2] =	stream.indirect.scatter.add.f32 [tilespmem:s17], [sflag:$0x6], $0x40, s21, s16, $0xb8;
	[tilespmem:$0x15020] =	vst v63  }
0x56: {  	_ =	swait.ge [sflag:s13], $0x1400  }
0x57: {  	[sflag:s13] =	ssyncset.done $0x0  }
0x58: {  	s21 =	sadd.s32 $0x190, s19;
	[sflag:s13] =	ssyncadd.s32 $0xFFFFEC00  }
0x59: {  	[tilespmem:s17], [sflag:$0x1] =	stream.indirect.gather [hbm4b:s4+s16], $0x40, s21, s16, $0xb8;
	[tilespmem:$0x15020] =	vst v63  }
0x5a: {  	_ =	swait.ge [sflag:s15], $0x1400  }
0x5b: {  	[sflag:s15] =	ssyncset.done $0x0  }
0x5c: {  	s21 =	sadd.s32 $0x2760, s19;
	[sflag:s15] =	ssyncadd.s32 $0xFFFFEC00  }
0x5d: {  	[spmem:s2] =	stream.indirect.scatter.add.f32 [tilespmem:s18], [sflag:$0x6], $0x40, s21, s16, $0xb8;
	[tilespmem:$0x15020] =	vst v63  }
0x5e: {  	_ =	swait.ge [sflag:s13], $0x1400  }
0x5f: {  	[sflag:s13] =	ssyncset.done $0x0  }
0x60: {  	s21 =	sadd.s32 $0x1E0, s19;
	[sflag:s13] =	ssyncadd.s32 $0xFFFFEC00  }
0x61: {  	[tilespmem:s18], [sflag:$0x2] =	stream.indirect.gather [hbm4b:s4+s16], $0x40, s21, s16, $0xb8;
	[tilespmem:$0x15020] =	vst v63  }
0x62: {  	_ =	swait.ge [sflag:s24], $0x1400  }
0x63: {  	[sflag:s24] =	ssyncset.done $0x0  }
0x64: {  	s21 =	sadd.s32 $0x27B0, s19;
	[sflag:s24] =	ssyncadd.s32 $0xFFFFEC00  }
0x65: {  	[spmem:s2] =	stream.indirect.scatter.add.f32 [tilespmem:s20], [sflag:$0x6], $0x40, s21, s16, $0xb8;
	[tilespmem:$0x15020] =	vst v63  }
0x66: {  	_ =	swait.ge [sflag:s13], $0x1400  }
0x67: {  	[sflag:s13] =	ssyncset.done $0x0  }
0x68: {  	s21 =	sadd.s32 $0x230, s19;
	[sflag:s13] =	ssyncadd.s32 $0xFFFFEC00  }
0x69: {  	[tilespmem:s20], [sflag:$0x3] =	stream.indirect.gather [hbm4b:s4+s16], $0x40, s21, s16, $0xb8;
	[tilespmem:$0x15020] =	vst v63  }
0x6a: {  	_ =	swait.ge [sflag:s25], $0x1400  }
0x6b: {  	[sflag:s25] =	ssyncset.done $0x0  }
0x6c: {  	s21 =	sadd.s32 $0x2800, s19;
	[sflag:s25] =	ssyncadd.s32 $0xFFFFEC00  }
0x6d: {  	[spmem:s2] =	stream.indirect.scatter.add.f32 [tilespmem:s22], [sflag:$0x6], $0x40, s21, s16, $0xb8;
	[tilespmem:$0x15020] =	vst v63  }
0x6e: {  	_ =	swait.ge [sflag:s13], $0x1400  }
0x6f: {  	[sflag:s13] =	ssyncset.done $0x0  }
0x70: {  	s21 =	sadd.s32 $0x280, s19;
	[sflag:s13] =	ssyncadd.s32 $0xFFFFEC00  }
0x71: {  	[tilespmem:s22], [sflag:$0x4] =	stream.indirect.gather [hbm4b:s4+s16], $0x40, s21, s16, $0xb8;
	[tilespmem:$0x15020] =	vst v63  }
0x72: {  	_ =	swait.ge [sflag:s26], $0x1400  }
.Ltmp0:
0x73: {  	[sflag:s26] =	ssyncset.done $0x0;
	(pc) =	sbr.rel @p0 .LBB2_2-.Ltmp0, $4  }
0x74: {  	s19 =	sadd.s32 $0x2850, s19;
	[sflag:s26] =	ssyncadd.s32 $0xFFFFEC00  }
0x75: {  	[spmem:s2] =	stream.indirect.scatter.add.f32 [tilespmem:s23], [sflag:$0x6], $0x40, s19, s16, $0xb8;
	[tilespmem:$0x15020] =	vst v63  }
0x76: {  	_ =	swait.ge [sflag:s13], $0x1400  }
0x77: {  	s21 =	smov.u32 s29;
	s19 =	sshra.s32 s28, $0x2;
	[sflag:s13] =	ssyncset.done $0x0  }
0x78: {  	s21 =	sadd.s32 $0x140, s19;
	[sflag:s13] =	ssyncadd.s32 $0xFFFFEC00  }
0x79: {  	[tilespmem:s23], [sflag:$0x5] =	stream.indirect.gather [hbm4b:s4+s16], $0x40, s21, s16, $0xb8;
	[tilespmem:$0x15020] =	vst v63  }
0x7a: {  	_ =	swait.ge [sflag:s14], $0x1400  }
0x7b: {  	[sflag:s14] =	ssyncset.done $0x0  }
0x7c: {  	s29 =	sadd.s32 $0x2710, s19;
	[sflag:s14] =	ssyncadd.s32 $0xFFFFEC00  }
0x7d: {  	[spmem:s2] =	stream.indirect.scatter.add.f32 [tilespmem:s17], [sflag:$0x6], $0x40, s29, s16, $0xb8;
	[tilespmem:$0x15020] =	vst v63  }
0x7e: {  	_ =	swait.ge [sflag:s13], $0x1400  }
0x7f: {  	[sflag:s13] =	ssyncset.done $0x0  }
0x80: {  	s30 =	sadd.s32 $0x190, s19;
	[sflag:s13] =	ssyncadd.s32 $0xFFFFEC00  }
0x81: {  	[tilespmem:s17], [sflag:$0x1] =	stream.indirect.gather [hbm4b:s4+s16], $0x40, s30, s16, $0xb8;
	[tilespmem:$0x15020] =	vst v63  }
0x82: {  	_ =	swait.ge [sflag:s15], $0x1400  }
0x83: {  	[sflag:s15] =	ssyncset.done $0x0  }
0x84: {  	s28 =	sadd.s32 $0x2760, s19;
	[sflag:s15] =	ssyncadd.s32 $0xFFFFEC00  }
0x85: {  	[spmem:s2] =	stream.indirect.scatter.add.f32 [tilespmem:s18], [sflag:$0x6], $0x40, s28, s16, $0xb8;
	[tilespmem:$0x15020] =	vst v63  }
0x86: {  	_ =	swait.ge [sflag:s13], $0x1400  }
0x87: {  	[sflag:s13] =	ssyncset.done $0x0  }
0x88: {  	s29 =	sadd.s32 $0x1E0, s19;
	[sflag:s13] =	ssyncadd.s32 $0xFFFFEC00  }
0x89: {  	[tilespmem:s18], [sflag:$0x2] =	stream.indirect.gather [hbm4b:s4+s16], $0x40, s29, s16, $0xb8;
	[tilespmem:$0x15020] =	vst v63  }
0x8a: {  	_ =	swait.ge [sflag:s24], $0x1400  }
0x8b: {  	[sflag:s24] =	ssyncset.done $0x0  }
0x8c: {  	s30 =	sadd.s32 $0x27B0, s19;
	[sflag:s24] =	ssyncadd.s32 $0xFFFFEC00  }
0x8d: {  	[spmem:s2] =	stream.indirect.scatter.add.f32 [tilespmem:s20], [sflag:$0x6], $0x40, s30, s16, $0xb8;
	[tilespmem:$0x15020] =	vst v63  }
0x8e: {  	_ =	swait.ge [sflag:s13], $0x1400  }
0x8f: {  	[sflag:s13] =	ssyncset.done $0x0  }
0x90: {  	s28 =	sadd.s32 $0x230, s19;
	[sflag:s13] =	ssyncadd.s32 $0xFFFFEC00  }
0x91: {  	[tilespmem:s20], [sflag:$0x3] =	stream.indirect.gather [hbm4b:s4+s16], $0x40, s28, s16, $0xb8;
	[tilespmem:$0x15020] =	vst v63  }
0x92: {  	_ =	swait.ge [sflag:s25], $0x1400  }
0x93: {  	[sflag:s25] =	ssyncset.done $0x0  }
0x94: {  	s29 =	sadd.s32 $0x2800, s19;
	[sflag:s25] =	ssyncadd.s32 $0xFFFFEC00  }
0x95: {  	[spmem:s2] =	stream.indirect.scatter.add.f32 [tilespmem:s22], [sflag:$0x6], $0x40, s29, s16, $0xb8;
	[tilespmem:$0x15020] =	vst v63  }
0x96: {  	_ =	swait.ge [sflag:s13], $0x1400  }
0x97: {  	[sflag:s13] =	ssyncset.done $0x0  }
0x98: {  	s30 =	sadd.s32 $0x280, s19;
	[sflag:s13] =	ssyncadd.s32 $0xFFFFEC00  }
0x99: {  	[tilespmem:s22], [sflag:$0x4] =	stream.indirect.gather [hbm4b:s4+s16], $0x40, s30, s16, $0xb8;
	[tilespmem:$0x15020] =	vst v63  }
0x9a: {  	_ =	swait.ge [sflag:s26], $0x1400  }
0x9b: {  	[sflag:s26] =	ssyncset.done $0x0  }
0x9c: {  	s21 =	sadd.s32 $0x2850, s19;
	[sflag:s26] =	ssyncadd.s32 $0xFFFFEC00  }
0x9d: {  	[spmem:s2] =	stream.indirect.scatter.add.f32 [tilespmem:s23], [sflag:$0x6], $0x40, s21, s16, $0xb8;
	[tilespmem:$0x15020] =	vst v63  }
0x9e: {  	_ =	swait.ge [sflag:s13], $0x1400  }
0x9f: {  	[sflag:s13] =	ssyncset.done $0x0  }
0xa0: {  	s28 =	simm.s32 $0x26C0;
	[sflag:s13] =	ssyncadd.s32 $0xFFFFEC00  }
0xa1: {  	[tilespmem:s23], [sflag:$0x5] =	stream.indirect.gather [hbm4b:s4+s16], $0x40, s28, s16, $0xb8;
	[tilespmem:$0x15020] =	vst v63  }
0xa2: {  	_ =	swait.ge [sflag:s14], $0x1400  }
0xa3: {  	[sflag:s14] =	ssyncset.done $0x0  }
0xa4: {  	s29 =	simm.s32 $0x4C90;
	[sflag:s14] =	ssyncadd.s32 $0xFFFFEC00  }
0xa5: {  	[spmem:s2] =	stream.indirect.scatter.add.f32 [tilespmem:s17], [sflag:$0x6], $0x40, s29, s16, $0xb8;
	[tilespmem:$0x15020] =	vst v63  }
0xa6: {  	_ =	swait.ge [sflag:s13], $0x1400  }
0xa7: {  	[sflag:s13] =	ssyncset.done $0x0  }
0xa8: {  	[sflag:s13] =	ssyncadd.s32 $0xFFFFEC00  }
0xa9: {  	_ =	swait.ge [sflag:s15], $0x1400  }
0xaa: {  	[sflag:s15] =	ssyncset.done $0x0  }
0xab: {  	s30 =	simm.s32 $0x4CE0;
	[sflag:s15] =	ssyncadd.s32 $0xFFFFEC00  }
0xac: {  	[spmem:s2] =	stream.indirect.scatter.add.f32 [tilespmem:s18], [sflag:$0x6], $0x40, s30, s16, $0xb8;
	[tilespmem:$0x15020] =	vst v63  }
0xad: {  	_ =	swait.ge [sflag:s13], $0x1400  }
0xae: {  	[sflag:s13] =	ssyncset.done $0x0  }
0xaf: {  	[sflag:s13] =	ssyncadd.s32 $0xFFFFEC00  }
0xb0: {  	_ =	swait.ge [sflag:s24], $0x1400  }
0xb1: {  	[sflag:s24] =	ssyncset.done $0x0  }
0xb2: {  	[sflag:s24] =	ssyncadd.s32 $0xFFFFEC00  }
0xb3: {  	[spmem:s2] =	stream.indirect.scatter.add.f32 [tilespmem:s20], [sflag:$0x6], $0x40, s31, s16, $0xb8;
	[tilespmem:$0x15020] =	vst v63  }
0xb4: {  	_ =	swait.ge [sflag:s13], $0x1400  }
0xb5: {  	[sflag:s13] =	ssyncset.done $0x0  }
0xb6: {  	[sflag:s13] =	ssyncadd.s32 $0xFFFFEC00  }
0xb7: {  	_ =	swait.ge [sflag:s25], $0x1400  }
0xb8: {  	[sflag:s25] =	ssyncset.done $0x0  }
0xb9: {  	[sflag:s25] =	ssyncadd.s32 $0xFFFFEC00  }
0xba: {  	[spmem:s2] =	stream.indirect.scatter.add.f32 [tilespmem:s22], [sflag:$0x6], $0x40, s1, s16, $0xb8;
	[tilespmem:$0x15020] =	vst v63  }
0xbb: {  	_ =	swait.ge [sflag:s13], $0x1400  }
0xbc: {  	[sflag:s13] =	ssyncset.done $0x0  }
0xbd: {  	[sflag:s13] =	ssyncadd.s32 $0xFFFFEC00  }
0xbe: {  	_ =	swait.ge [sflag:s26], $0x1400  }
0xbf: {  	[sflag:s26] =	ssyncset.done $0x0  }
0xc0: {  	[sflag:s26] =	ssyncadd.s32 $0xFFFFEC00  }
0xc1: {  	[spmem:s2] =	stream.indirect.scatter.add.f32 [tilespmem:s23], [sflag:$0x6], $0x40, s0, s16, $0xb8;
	[tilespmem:$0x15020] =	vst v63  }
0xc2: {  	_ =	swait.ge [sflag:s13], $0x1400  }
0xc3: {  	s11 =	sadd.s32 $0x1, s11;
	[sflag:s13] =	ssyncset.done $0x0  }
0xc4: {  	p0 =	sne.s32 s11, s10;
	[sflag:s13] =	ssyncadd.s32 $0xFFFFEC00  }
.Ltmp1:
0xc5: {  	[bflag:$0x0] =	sbarrier.arrive $0xFFFF;
	(pc) =	sbr.rel @p0 .LBB2_1-.Ltmp1, $4  }
0xc6: {  	[hbm:s9], [sflag:s8] =	dma.local [spmem:s12], $0x13C0  }
0xc7: {  	_ =	swait.ge [sflag:s13], $0x13C0  }
0xc8: {  	[sflag:s13] =	ssyncset.done $0x0  }
0xc9: {  	[sflag:s13] =	ssyncadd.s32 $0xFFFFEC40  }
0xca: {  	_ =	sfence.sel $0x180000  }
0xcb: {  	[bflag:$0x0] =	sbarrier.arrive $0xFFFF  }
0xcc: {  	_ =	strace $0x9000004A  }
0xcd: {  	s0 =	stileid.u32;
	[bflag:$0x2] =	sbarrier.arrive $0xFFFF  }
0xce: {  	p0 =	sne.s32 s0, $0x0;
	s0 =	rddreg [dreg:$0x3]  }
0xcf: {  	s0 =	sadd.s32 @!p0 $0x100000, s0  }
0xd0: {  	[sflag:s0] =	ssyncadd.tile.s32 @!p0 $0x1;
	_ =	shalt  }
.Lfunc_end2:
_tile_overlayer_lowered:
.L_overlay_start_2:
0xd1: {  	(tag) =	ssettag $0x2  }
0xd2: {  	s0 =	rddreg [dreg:$0x0];
	s2 =	stileid.u32  }
0xd3: {  	s1 =	rddreg [dreg:$0x1];
	p0 =	sne.s32 s2, $0x0  }
0xd4: {  	s3 =	rddreg [dreg:$0x2];
	[bflag:$0x3] =	sbarrier.arrive $0xFFFF;
	s2 =	simm.s32 @!p0 $0x1C06  }
0xd5: {  	[timem:s3], [sflag:s2] =	dma.local @!p0 [hbm:s0], s1  }
0xd6: {  	s0 =	simm.s32 @!p0 $0x6  }
0xd7: {  	_ =	swait.ge @!p0 [sflag:s0], s1  }
0xd8: {  	s1 =	ssub.s32 @!p0 $0x0, s1;
	[sflag:s0] =	ssyncset.done @!p0 $0x0  }
0xd9: {  	[sflag:s0] =	ssyncadd.s32 @!p0 s1  }
0xda: {  	[bflag:$0x3] =	sbarrier.arrive $0xFFFF  }
0xdb: {  	_ =	shalt  }

// kernel: kernel.7.cloned.1.call-start
scs
__scs_entry_jumppad:
0x0: {  	(pc) =	sbr.rel $0x88, $3  }
0x1: {  	(tag) =	ssettag $0x0;
	lr =	simm.s32 $0x1  }
0x2: {  	[smem:$0x3F95] =	sst lr;
	_ =	strace $0xD0000000  }
0x3: {  	_ = 	snop  }
0x4: {  	_ = 	snop  }
0x5: {  	_ = 	snop  }
0x6: {  	_ = 	snop  }
0x7: {  	_ = 	snop  }
__scs_overlays_trampoline_lowered:
0x8: {  	[smem:$0x3FA4] =	sst s0  }
0x9: {  	[smem:$0x3FA5] =	sst s1  }
0xa: {  	[smem:$0x3FA6] =	sst s2  }
0xb: {  	[smem:$0x3FA7] =	sst s3  }
0xc: {  	[smem:$0x3FA8] =	sst s4  }
0xd: {  	[smem:$0x3FA9] =	sst s5  }
0xe: {  	[smem:$0x3FAA] =	sst s6  }
0xf: {  	[smem:$0x3FAB] =	sst s7  }
0x10: {  	[smem:$0x3FAC] =	sst s8  }
0x11: {  	[smem:$0x3FAD] =	sst s9;
	s0 =	simm.s32 @!p0 $0x0  }
0x12: {  	s1 =	sld [smem:$0x3F93];
	s0 =	simm.s32 @p0 $0x1  }
0x13: {  	[smem:$0x3FAE] =	sst s0;
	s0 =	simm.s32 @!p1 $0x0  }
0x14: {  	s2 =	sld [smem:$0x3F92];
	s0 =	simm.s32 @p1 $0x1  }
0x15: {  	[smem:$0x3FAF] =	sst s0;
	s0 =	simm.s32 @!p2 $0x0  }
0x16: {  	s3 =	sld [smem:$0x3FDB];
	s0 =	simm.s32 @p2 $0x1  }
0x17: {  	s4 =	simm.s32 $0x1BF5;
	[smem:$0x3FB1] =	sst s0  }
0x18: {  	s0 =	sld [smem:$0x3F94];
	_ =	swait.ge [sflag:s4], $0x0  }
0x19: {  	s7 =	sld [smem:$0x3F95]  }
0x1a: {  	s8 =	sadd.s32 $0xFFFFE003, lr  }
0x1b: {  	s9 =	sadd.s32 $0xFFFFFEF7, lr;
	s5 =	simm.s32 $0xFFFFFFFF;
	p2 =	slt.u32 s8, $0xFFFFF086  }
0x1c: {  	p1 =	slt.u32 s9, $0xF7A;
	s5 =	simm.s32 @!p2 $0x0  }
0x1d: {  	s5 =	simm.s32 @p1 $0x1;
	p0 =	seq.s32 s7, s2  }
0x1e: {  	s7 =	smul.u32 @!p0 $0xF7A, s2;
	p2 =	seq.s32 @!p0 s5, $0x0  }
0x1f: {  	s9 =	smul.u32 $0xF7A, s1;
	s8 =	simm.s32 @!p0 $0x1BF5;
	p2 =	por !p2, p0  }
0x20: {  	[sflag:s8] =	ssyncset.s32 @!p0 $0xFFFFF086;
	s6 =	sadd.s32 @!p0 s3, s7;
	s7 =	simm.s32 @!p0 $0x108  }
0x21: {  	s3 =	sadd.s32 s3, s9;
	s6 =	sadd.s32 @!p0 $0x88, s6;
	s7 =	simm.s32 @p2 $0x1082  }
0x22: {  	[simem:s7], [sflag:s8] =	dma.local @!p0 [hbm:s6], $0xF7A  }
0x23: {  	s9 =	sor.u32 $0xD0000000, s2;
	s6 =	simm.s32 $0x108;
	_ =	swait.ge @!p0 [sflag:s8], $0x0  }
0x24: {  	s3 =	sadd.s32 $0x88, s3;
	s6 =	simm.s32 @!p1 $0x1082;
	[sflag:s4] =	ssyncset.s32 $0xFFFFF086  }
0x25: {  	[simem:s6], [sflag:s4] =	dma.local [hbm:s3], $0xF7A  }
0x26: {  	[smem:$0x3F95] =	sst s1;
	(tag) =	ssettag s2;
	_ =	strace s9  }
0x27: {  	s1 =	sld [smem:$0x3FA5]  }
0x28: {  	s2 =	sld [smem:$0x3FA6]  }
0x29: {  	s4 =	sld [smem:$0x3FA8]  }
0x2a: {  	p0 =	seq.s32 s5, $0x0;
	s5 =	sld [smem:$0x3FA9]  }
0x2b: {  	s6 =	sld [smem:$0x3FAA]  }
0x2c: {  	s7 =	sld [smem:$0x3FAB]  }
0x2d: {  	s3 =	simm.s32 $0x108;
	s8 =	sld [smem:$0x3FAC]  }
0x2e: {  	s3 =	simm.s32 @!p0 $0x1082;
	s9 =	sld [smem:$0x3FAD]  }
0x2f: {  	lr =	sadd.s32 s0, s3;
	s0 =	sld [smem:$0x3FA4]  }
0x30: {  	s3 =	sld [smem:$0x3FA7]  }
0x31: {  	[smem:$0x3FB0] =	sst s10  }
0x32: {  	s10 =	sld [smem:$0x3FAE];
	_ =	sdelay $0x3  }
0x33: {  	p0 =	seq.s32 s10, $0x1;
	s10 =	sld [smem:$0x3FB0];
	_ =	sdelay $0x3  }
0x34: {  	[smem:$0x3FB0] =	sst s10  }
0x35: {  	s10 =	sld [smem:$0x3FAF];
	_ =	sdelay $0x3  }
0x36: {  	p1 =	seq.s32 s10, $0x1;
	s10 =	sld [smem:$0x3FB0];
	_ =	sdelay $0x3  }
0x37: {  	[smem:$0x3FB0] =	sst s10  }
0x38: {  	s10 =	sld [smem:$0x3FB1]  }
0x39: {  	_ = 	snop;
	(pc) =	sbr.ind lr, $3  }
0x3a: {  	_ = 	snop  }
0x3b: {  	_ = 	snop  }
0x3c: {  	p2 =	seq.s32 s10, $0x1;
	s10 =	sld [smem:$0x3FB0]  }
0x3d: {  	_ =	shalt  }
0x3e: {  	_ =	shalt  }
0x3f: {  	_ =	shalt  }
0x40: {  	_ =	shalt  }
0x41: {  	_ =	shalt  }
0x42: {  	_ =	shalt  }
0x43: {  	_ =	shalt  }
0x44: {  	_ =	shalt  }
0x45: {  	_ =	shalt  }
0x46: {  	_ =	shalt  }
0x47: {  	_ =	shalt  }
0x48: {  	_ =	shalt  }
0x49: {  	_ =	shalt  }
0x4a: {  	_ =	shalt  }
0x4b: {  	_ =	shalt  }
0x4c: {  	_ =	shalt  }
0x4d: {  	_ =	shalt  }
0x4e: {  	_ =	shalt  }
0x4f: {  	_ =	shalt  }
0x50: {  	_ =	shalt  }
0x51: {  	_ =	shalt  }
0x52: {  	_ =	shalt  }
0x53: {  	_ =	shalt  }
0x54: {  	_ =	shalt  }
0x55: {  	_ =	shalt  }
0x56: {  	_ =	shalt  }
0x57: {  	_ =	shalt  }
0x58: {  	_ =	shalt  }
0x59: {  	_ =	shalt  }
0x5a: {  	_ =	shalt  }
0x5b: {  	_ =	shalt  }
0x5c: {  	_ =	shalt  }
0x5d: {  	_ =	shalt  }
0x5e: {  	_ =	shalt  }
0x5f: {  	_ =	shalt  }
0x60: {  	_ =	shalt  }
0x61: {  	_ =	shalt  }
0x62: {  	_ =	shalt  }
0x63: {  	_ =	shalt  }
0x64: {  	_ =	shalt  }
0x65: {  	_ =	shalt  }
0x66: {  	_ =	shalt  }
0x67: {  	_ =	shalt  }
0x68: {  	_ =	shalt  }
0x69: {  	_ =	shalt  }
0x6a: {  	_ =	shalt  }
0x6b: {  	_ =	shalt  }
0x6c: {  	_ =	shalt  }
0x6d: {  	_ =	shalt  }
0x6e: {  	_ =	shalt  }
0x6f: {  	_ =	shalt  }
0x70: {  	_ =	shalt  }
0x71: {  	_ =	shalt  }
0x72: {  	_ =	shalt  }
0x73: {  	_ =	shalt  }
0x74: {  	_ =	shalt  }
0x75: {  	_ =	shalt  }
0x76: {  	_ =	shalt  }
0x77: {  	_ =	shalt  }
0x78: {  	_ =	shalt  }
0x79: {  	_ =	shalt  }
0x7a: {  	_ =	shalt  }
0x7b: {  	_ =	shalt  }
0x7c: {  	_ =	shalt  }
0x7d: {  	_ =	shalt  }
0x7e: {  	_ =	shalt  }
0x7f: {  	_ =	shalt  }
0x80: {  	_ =	shalt  }
0x81: {  	_ =	shalt  }
0x82: {  	_ =	shalt  }
0x83: {  	_ =	shalt  }
0x84: {  	_ =	shalt  }
0x85: {  	_ =	shalt  }
0x86: {  	_ =	shalt  }
0x87: {  	_ =	shalt  }
.Lfunc_end0:
.L_simem_size_0:
called_computation_lowered:
.L_overlay_start_0:
0x88: {  	s2 =	sld [smem:$0x3FD9]  }
0x89: {  	s3 =	sld [smem:$0x3FFE];
	_ =	sdelay $0x1  }
0x8a: {  	s1 =	srdreg.scid  }
0x8b: {  	s0 =	sand.u32 $0x1, s1  }
0x8c: {  	s17 =	sshll.u32 s0, $0xA;
	s2 =	sadd.s32 s3, s2  }
0x8d: {  	s2 =	sadd.s32 s2, s17  }
0x8e: {  	[smem:$0x3FBC] =	sst s2  }
0x8f: {  	_ = 	snop  }
0x90: {  	s2 =	sld [smem:$0x3FD0];
	(tm) =	ssettm $0x1  }
0x91: {  	s18 =	sld [smem:$0x3FFB];
	_ =	sdelay $0x3  }
0x92: {  	_ =	strace s18  }
0x93: {  	s3 =	sld [smem:$0x3FFC];
	_ =	sdelay $0x3  }
0x94: {  	_ =	strace s3  }
0x95: {  	s3 =	sld [smem:$0x3FFD];
	_ =	sdelay $0x3  }
0x96: {  	_ =	strace s3  }
0x97: {  	_ =	strace $0x8FFFFFFF  }
0x98: {  	s19 =	sld [smem:$0x3FDB];
	_ =	sdelay $0x1  }
0x99: {  	s4 =	simm.s32 $_scs_section_size  }
0x9a: {  	s5 =	simm.s32 $_size__tile_overlayer_lowered;
	s6 =	simm.s32 $_tile_overlayer_lowered  }
0x9b: {  	s22 =	simm.s32 $0x1BFF;
	s21 =	sshll.u32 s6, $0x1;
	s3 =	sadd.s32 s4, s19  }
0x9c: {  	s7 =	simm.s32 $0x0;
	s20 =	sshll.u32 s5, $0x1;
	s5 =	sadd.s32 s21, s3  }
0x9d: {  	[timem:s7], [sflag:s22] =	dma.local [hbm:s5], s20  }
0x9e: {  	_ =	swait.ge [sflag:s22], s20  }
0x9f: {  	s4 =	ssub.s32 $0x0, s20;
	[sflag:s22] =	ssyncset.done $0x0  }
0xa0: {  	[sflag:s22] =	ssyncadd.s32 s4;
	_ =	sdelay $0x1  }
0xa1: {  	s23 =	simm.s32 $0x1B8B  }
0xa2: {  	_ =	swait.ge [sflag:s23], $0x1  }
0xa3: {  	[sflag:s23] =	ssyncset.done $0x0  }
0xa4: {  	s25 =	simm.s32 $0x1B8E;
	s24 =	sld [smem:$0x3FFE];
	[sflag:s23] =	ssyncadd.s32 $0xFFFFFFFF  }
0xa5: {  	s26 =	simm.s32 $execute0_lowered;
	[smem:$0x3FD2] =	sst s25  }
0xa6: {  	s5 =	sshll.u32 s26, $0x1;
	_ =	strace $0x80000046;
	[dreg:$0x1] =	wrdreg $0xFFFFFFFF  }
0xa7: {  	s28 =	simm.s32 $_size_execute0_lowered;
	s3 =	sadd.s32 s3, s5;
	[dreg:$0x0] =	wrdreg $0x0  }
0xa8: {  	s5 =	sshll.u32 s28, $0x1;
	[dreg:$0x2] =	wrdreg s3  }
0xa9: {  	[dreg:$0x3] =	wrdreg s5  }
0xaa: {  	[dreg:$0x4] =	wrdreg $0xC0  }
0xab: {  	_ =	task [dreg:s7], $0x5FFFF  }
0xac: {  	[dreg:$0x1] =	wrdreg $0xFFFFFFFF  }
0xad: {  	[dreg:$0x0] =	wrdreg $0x60  }
0xae: {  	[dreg:$0x2] =	wrdreg s24  }
0xaf: {  	[dreg:$0x3] =	wrdreg s2  }
0xb0: {  	[dreg:$0x4] =	wrdreg $0xB2200  }
0xb1: {  	[dreg:$0x5] =	wrdreg $0x9  }
0xb2: {  	_ =	task.clear_ibuf [dreg:s7], $0x6FFFF;
	_ =	strace $0x90000046  }
0xb3: {  	s29 =	simm.s32 $0x9;
	_ =	strace $0x80000048  }
0xb4: {  	_ =	swait.ge [sflag:s29], $0x1  }
0xb5: {  	[sflag:s29] =	ssyncadd.s32 $0xFFFFFFFF  }
0xb6: {  	_ =	strace $0x90000048  }
0xb7: {  	_ =	sfence  }
0xb8: {  	s30 =	sld [smem:$0x0];
	_ =	sdelay $0x2  }
0xb9: {  	s31 =	sshll.u32 s1, $0xD;
	s1 =	sshrl.u32 s1, $0x2  }
0xba: {  	s3 =	sand.u32 $0x4000, s31;
	s1 =	sadd.s32 s1, s30  }
0xbb: {  	s0 =	sor.u32 s3, s0;
	s1 =	sshll.u32 s1, $0x11  }
0xbc: {  	s0 =	sor.u32 s1, s0  }
0xbd: {  	s0 =	sadd.s32 $0x8F2B, s0  }
0xbe: {  	[sflag:s0] =	ssyncadd.remote.s32 $0x1  }
0xbf: {  	_ =	sfence.sel $0xFFFF  }
0xc0: {  	[dreg:$0x0] =	wrdreg $0xFFFFFFFF;
	(pc) =	sbr.abs _section_cstart, $3  }
0xc1: {  	[dreg:$0x1] =	wrdreg $0xFFFFFFFF  }
0xc2: {  	_ =	task.clear_ibuf [dreg:s7], $0x2FFFF;
	_ =	strace $0x9FFFFFFF  }
0xc3: {  	(tm) =	ssettm $0x7FFFFFFF  }
tec
execute0_lowered:
.L_overlay_start_1:
0x0: {  	(tag) =	ssettag $0x1  }
0x1: {  	s0 =	srdreg.scid  }
0x2: {  	s10 =	stileid.u32;
	s1 =	rddreg [dreg:$0x0]  }
0x3: {  	s7 =	rddreg [dreg:$0x1];
	s13 =	simm.s32 $0x6;
	s14 =	simm.s32 $0x1  }
0x4: {  	s15 =	simm.s32 $0x2;
	s16 =	simm.s32 $0x50;
	s17 =	simm.s32 $0x4E20  }
0x5: {  	s18 =	simm.s32 $0x6220;
	s20 =	simm.s32 $0x7620;
	s22 =	simm.s32 $0x8A20  }
0x6: {  	s23 =	simm.s32 $0x9E20;
	s24 =	simm.s32 $0x3;
	s25 =	simm.s32 $0x4  }
0x7: {  	s31 =	simm.s32 $0x4D30;
	s0 =	sand.u32 $0x1, s0;
	s6 =	smul.u32 $0x13C0, s10  }
0x8: {  	s2 =	sshll.u32 s10, $0x1;
	s4 =	sadd.s32 $0x15200, s1;
	s29 =	smul.u32 $0x9E00, s10  }
0x9: {  	s30 =	sshll.u32 s10, $0x6;
	s3 =	sor.u32 s0, s2;
	s8 =	smul.u32 $0x13C00, s0  }
0xa: {  	s2 =	rddreg [dreg:$0x2];
	s0 =	ssub.s32 $0x2, s0;
	s5 =	smul.u32 $0x4E2, s3  }
0xb: {  	s3 =	simm.s32 $0x0;
	s28 =	sshrl.u32 s0, $0x1;
	s11 =	sadd.s32 s29, s2  }
0xc: {  	[smem:$0x7FF] =	sst s3;
	s26 =	sadd.s32 s6, s8;
	s0 =	ssub.s32 s0, s28  }
0xd: {  	s8 =	sshrl.u32 s29, $0x3;
	s12 =	sshrl.u32 s11, $0x3;
	s11 =	simm.s32 $0x0  }
0xe: {  	_ =	strace $0x80000047;
	s9 =	sadd.s32 s5, s1;
	s1 =	sadd.s32 s26, s1  }
0xf: {  	s7 =	sadd.s32 s7, s8;
	s8 =	sor.u32 $0x1C06, s30;
	s10 =	smax.u32 s0, $0x1  }
0x10: {  	s26 =	simm.s32 $0x5;
	s0 =	simm.s32 $0x4DD0;
	s5 =	sadd.s32 $0xB400, s9  }
0x11: {  	s6 =	sadd.s32 $0x1600, s9;
	s9 =	sadd.s32 $0x28C00, s1;
	s1 =	simm.s32 $0x4D80  }
.LBB2_1:
0x12: {  	[tilespmem:s3], [sflag:$0x1] =	stream.linear.gather [hbm4b:s5+s3], $0x2710, $0x38;
	[tilespmem:$0x15020] =	vst v63  }
0x13: {  	s19 =	simm.s32 $0x2710  }
0x14: {  	[tilespmem:s19], [sflag:$0x2] =	stream.linear.gather [hbm4b:s6+s3], $0x2710, $0x38;
	[tilespmem:$0x15020] =	vst v63  }
0x15: {  	[spmem:s12], [sflag:s8] =	dma.local [hbm:s7], $0x13C0  }
0x16: {  	_ =	swait.ge [sflag:s13], $0x13C0  }
0x17: {  	[sflag:s13] =	ssyncset.done $0x0  }
0x18: {  	[sflag:s13] =	ssyncadd.s32 $0xFFFFEC40  }
0x19: {  	_ =	swait.ge [sflag:s14], $0x2710  }
0x1a: {  	[sflag:s14] =	ssyncset.done $0x0  }
0x1b: {  	[sflag:s14] =	ssyncadd.s32 $0xFFFFD8F0  }
0x1c: {  	_ =	swait.ge [sflag:s15], $0x2710  }
0x1d: {  	[sflag:s15] =	ssyncset.done $0x0  }
0x1e: {  	[sflag:s15] =	ssyncadd.s32 $0xFFFFD8F0  }
0x1f: {  	[bflag:$0x0] =	sbarrier.arrive $0xFFFF  }
0x20: {  	[tilespmem:s17], [sflag:$0x1] =	stream.indirect.gather [hbm4b:s4+s16], $0x40, s3, s16, $0xb8;
	[tilespmem:$0x15020] =	vst v63  }
0x21: {  	_ = 	snop  }
0x22: {  	[tilespmem:s18], [sflag:$0x2] =	stream.indirect.gather [hbm4b:s4+s16], $0x40, s16, s16, $0xb8;
	[tilespmem:$0x15020] =	vst v63  }
0x23: {  	s21 =	simm.s32 $0xA0  }
0x24: {  	[tilespmem:s20], [sflag:$0x3] =	stream.indirect.gather [hbm4b:s4+s16], $0x40, s21, s16, $0xb8;
	[tilespmem:$0x15020] =	vst v63  }
0x25: {  	s28 =	simm.s32 $0xF0  }
0x26: {  	[tilespmem:s22], [sflag:$0x4] =	stream.indirect.gather [hbm4b:s4+s16], $0x40, s28, s16, $0xb8;
	[tilespmem:$0x15020] =	vst v63  }
0x27: {  	s29 =	simm.s32 $0x140  }
0x28: {  	[tilespmem:s23], [sflag:$0x5] =	stream.indirect.gather [hbm4b:s4+s16], $0x40, s29, s16, $0xb8;
	[tilespmem:$0x15020] =	vst v63  }
0x29: {  	_ =	swait.ge [sflag:s14], $0x1400  }
0x2a: {  	[sflag:s14] =	ssyncset.done $0x0  }
0x2b: {  	s30 =	simm.s32 $0x2710;
	[sflag:s14] =	ssyncadd.s32 $0xFFFFEC00  }
0x2c: {  	[spmem:s2] =	stream.indirect.scatter.add.f32 [tilespmem:s17], [sflag:$0x6], $0x40, s30, s16, $0xb8;
	[tilespmem:$0x15020] =	vst v63  }
0x2d: {  	_ =	swait.ge [sflag:s13], $0x1400  }
0x2e: {  	[sflag:s13] =	ssyncset.done $0x0  }
0x2f: {  	s21 =	simm.s32 $0x190;
	[sflag:s13] =	ssyncadd.s32 $0xFFFFEC00  }
0x30: {  	[tilespmem:s17], [sflag:$0x1] =	stream.indirect.gather [hbm4b:s4+s16], $0x40, s21, s16, $0xb8;
	[tilespmem:$0x15020] =	vst v63  }
0x31: {  	_ =	swait.ge [sflag:s15], $0x1400  }
0x32: {  	[sflag:s15] =	ssyncset.done $0x0  }
0x33: {  	s28 =	simm.s32 $0x2760;
	[sflag:s15] =	ssyncadd.s32 $0xFFFFEC00  }
0x34: {  	[spmem:s2] =	stream.indirect.scatter.add.f32 [tilespmem:s18], [sflag:$0x6], $0x40, s28, s16, $0xb8;
	[tilespmem:$0x15020] =	vst v63  }
0x35: {  	_ =	swait.ge [sflag:s13], $0x1400  }
0x36: {  	[sflag:s13] =	ssyncset.done $0x0  }
0x37: {  	s29 =	simm.s32 $0x1E0;
	[sflag:s13] =	ssyncadd.s32 $0xFFFFEC00  }
0x38: {  	[tilespmem:s18], [sflag:$0x2] =	stream.indirect.gather [hbm4b:s4+s16], $0x40, s29, s16, $0xb8;
	[tilespmem:$0x15020] =	vst v63  }
0x39: {  	_ =	swait.ge [sflag:s24], $0x1400  }
0x3a: {  	[sflag:s24] =	ssyncset.done $0x0  }
0x3b: {  	s30 =	simm.s32 $0x27B0;
	[sflag:s24] =	ssyncadd.s32 $0xFFFFEC00  }
0x3c: {  	[spmem:s2] =	stream.indirect.scatter.add.f32 [tilespmem:s20], [sflag:$0x6], $0x40, s30, s16, $0xb8;
	[tilespmem:$0x15020] =	vst v63  }
0x3d: {  	_ =	swait.ge [sflag:s13], $0x1400  }
0x3e: {  	[sflag:s13] =	ssyncset.done $0x0  }
0x3f: {  	s21 =	simm.s32 $0x230;
	[sflag:s13] =	ssyncadd.s32 $0xFFFFEC00  }
0x40: {  	[tilespmem:s20], [sflag:$0x3] =	stream.indirect.gather [hbm4b:s4+s16], $0x40, s21, s16, $0xb8;
	[tilespmem:$0x15020] =	vst v63  }
0x41: {  	_ =	swait.ge [sflag:s25], $0x1400  }
0x42: {  	[sflag:s25] =	ssyncset.done $0x0  }
0x43: {  	s28 =	simm.s32 $0x2800;
	[sflag:s25] =	ssyncadd.s32 $0xFFFFEC00  }
0x44: {  	[spmem:s2] =	stream.indirect.scatter.add.f32 [tilespmem:s22], [sflag:$0x6], $0x40, s28, s16, $0xb8;
	[tilespmem:$0x15020] =	vst v63  }
0x45: {  	_ =	swait.ge [sflag:s13], $0x1400  }
0x46: {  	[sflag:s13] =	ssyncset.done $0x0  }
0x47: {  	s29 =	simm.s32 $0x280;
	[sflag:s13] =	ssyncadd.s32 $0xFFFFEC00  }
0x48: {  	[tilespmem:s22], [sflag:$0x4] =	stream.indirect.gather [hbm4b:s4+s16], $0x40, s29, s16, $0xb8;
	[tilespmem:$0x15020] =	vst v63  }
0x49: {  	_ =	swait.ge [sflag:s26], $0x1400  }
0x4a: {  	[sflag:s26] =	ssyncset.done $0x0  }
0x4b: {  	s30 =	simm.s32 $0x2850;
	[sflag:s26] =	ssyncadd.s32 $0xFFFFEC00  }
0x4c: {  	[spmem:s2] =	stream.indirect.scatter.add.f32 [tilespmem:s23], [sflag:$0x6], $0x40, s30, s16, $0xb8;
	[tilespmem:$0x15020] =	vst v63  }
0x4d: {  	_ =	swait.ge [sflag:s13], $0x1400  }
0x4e: {  	s19 =	simm.s32 $0x190;
	s21 =	simm.s32 $0xC80;
	[sflag:s13] =	ssyncset.done $0x0  }
.LBB2_2:
0x4f: {  	s30 =	sadd.s32 $0x140, s19  }
0x50: {  	[sflag:s13] =	ssyncadd.s32 $0xFFFFEC00;
	s28 =	smov.u32 s21;
	s29 =	sadd.s32 $0x640, s21  }
0x51: {  	[tilespmem:s23], [sflag:$0x5] =	stream.indirect.gather [hbm4b:s4+s16], $0x40, s30, s16, $0xb8;
	[tilespmem:$0x15020] =	vst v63  }
0x52: {  	p0 =	sne.s32 s21, $0x8FC0;
	_ =	swait.ge [sflag:s14], $0x1400  }
0x53: {  	[sflag:s14] =	ssyncset.done $0x0  }
0x54: {  	s21 =	sadd.s32 $0x2710, s19;
	[sflag:s14] =	ssyncadd.s32 $0xFFFFEC00  }
0x55: {  	[spmem:s2] =	stream.indirect.scatter.add.f32 [tilespmem:s17], [sflag:$0x6], $0x40, s21, s16, $0xb8;
	[tilespmem:$0x15020] =	vst v63  }
0x56: {  	_ =	swait.ge [sflag:s13], $0x1400  }
0x57: {  	[sflag:s13] =	ssyncset.done $0x0  }
0x58: {  	s21 =	sadd.s32 $0x190, s19;
	[sflag:s13] =	ssyncadd.s32 $0xFFFFEC00  }
0x59: {  	[tilespmem:s17], [sflag:$0x1] =	stream.indirect.gather [hbm4b:s4+s16], $0x40, s21, s16, $0xb8;
	[tilespmem:$0x15020] =	vst v63  }
0x5a: {  	_ =	swait.ge [sflag:s15], $0x1400  }
0x5b: {  	[sflag:s15] =	ssyncset.done $0x0  }
0x5c: {  	s21 =	sadd.s32 $0x2760, s19;
	[sflag:s15] =	ssyncadd.s32 $0xFFFFEC00  }
0x5d: {  	[spmem:s2] =	stream.indirect.scatter.add.f32 [tilespmem:s18], [sflag:$0x6], $0x40, s21, s16, $0xb8;
	[tilespmem:$0x15020] =	vst v63  }
0x5e: {  	_ =	swait.ge [sflag:s13], $0x1400  }
0x5f: {  	[sflag:s13] =	ssyncset.done $0x0  }
0x60: {  	s21 =	sadd.s32 $0x1E0, s19;
	[sflag:s13] =	ssyncadd.s32 $0xFFFFEC00  }
0x61: {  	[tilespmem:s18], [sflag:$0x2] =	stream.indirect.gather [hbm4b:s4+s16], $0x40, s21, s16, $0xb8;
	[tilespmem:$0x15020] =	vst v63  }
0x62: {  	_ =	swait.ge [sflag:s24], $0x1400  }
0x63: {  	[sflag:s24] =	ssyncset.done $0x0  }
0x64: {  	s21 =	sadd.s32 $0x27B0, s19;
	[sflag:s24] =	ssyncadd.s32 $0xFFFFEC00  }
0x65: {  	[spmem:s2] =	stream.indirect.scatter.add.f32 [tilespmem:s20], [sflag:$0x6], $0x40, s21, s16, $0xb8;
	[tilespmem:$0x15020] =	vst v63  }
0x66: {  	_ =	swait.ge [sflag:s13], $0x1400  }
0x67: {  	[sflag:s13] =	ssyncset.done $0x0  }
0x68: {  	s21 =	sadd.s32 $0x230, s19;
	[sflag:s13] =	ssyncadd.s32 $0xFFFFEC00  }
0x69: {  	[tilespmem:s20], [sflag:$0x3] =	stream.indirect.gather [hbm4b:s4+s16], $0x40, s21, s16, $0xb8;
	[tilespmem:$0x15020] =	vst v63  }
0x6a: {  	_ =	swait.ge [sflag:s25], $0x1400  }
0x6b: {  	[sflag:s25] =	ssyncset.done $0x0  }
0x6c: {  	s21 =	sadd.s32 $0x2800, s19;
	[sflag:s25] =	ssyncadd.s32 $0xFFFFEC00  }
0x6d: {  	[spmem:s2] =	stream.indirect.scatter.add.f32 [tilespmem:s22], [sflag:$0x6], $0x40, s21, s16, $0xb8;
	[tilespmem:$0x15020] =	vst v63  }
0x6e: {  	_ =	swait.ge [sflag:s13], $0x1400  }
0x6f: {  	[sflag:s13] =	ssyncset.done $0x0  }
0x70: {  	s21 =	sadd.s32 $0x280, s19;
	[sflag:s13] =	ssyncadd.s32 $0xFFFFEC00  }
0x71: {  	[tilespmem:s22], [sflag:$0x4] =	stream.indirect.gather [hbm4b:s4+s16], $0x40, s21, s16, $0xb8;
	[tilespmem:$0x15020] =	vst v63  }
0x72: {  	_ =	swait.ge [sflag:s26], $0x1400  }
.Ltmp0:
0x73: {  	[sflag:s26] =	ssyncset.done $0x0;
	(pc) =	sbr.rel @p0 .LBB2_2-.Ltmp0, $4  }
0x74: {  	s19 =	sadd.s32 $0x2850, s19;
	[sflag:s26] =	ssyncadd.s32 $0xFFFFEC00  }
0x75: {  	[spmem:s2] =	stream.indirect.scatter.add.f32 [tilespmem:s23], [sflag:$0x6], $0x40, s19, s16, $0xb8;
	[tilespmem:$0x15020] =	vst v63  }
0x76: {  	_ =	swait.ge [sflag:s13], $0x1400  }
0x77: {  	s21 =	smov.u32 s29;
	s19 =	sshra.s32 s28, $0x2;
	[sflag:s13] =	ssyncset.done $0x0  }
0x78: {  	s21 =	sadd.s32 $0x140, s19;
	[sflag:s13] =	ssyncadd.s32 $0xFFFFEC00  }
0x79: {  	[tilespmem:s23], [sflag:$0x5] =	stream.indirect.gather [hbm4b:s4+s16], $0x40, s21, s16, $0xb8;
	[tilespmem:$0x15020] =	vst v63  }
0x7a: {  	_ =	swait.ge [sflag:s14], $0x1400  }
0x7b: {  	[sflag:s14] =	ssyncset.done $0x0  }
0x7c: {  	s29 =	sadd.s32 $0x2710, s19;
	[sflag:s14] =	ssyncadd.s32 $0xFFFFEC00  }
0x7d: {  	[spmem:s2] =	stream.indirect.scatter.add.f32 [tilespmem:s17], [sflag:$0x6], $0x40, s29, s16, $0xb8;
	[tilespmem:$0x15020] =	vst v63  }
0x7e: {  	_ =	swait.ge [sflag:s13], $0x1400  }
0x7f: {  	[sflag:s13] =	ssyncset.done $0x0  }
0x80: {  	s30 =	sadd.s32 $0x190, s19;
	[sflag:s13] =	ssyncadd.s32 $0xFFFFEC00  }
0x81: {  	[tilespmem:s17], [sflag:$0x1] =	stream.indirect.gather [hbm4b:s4+s16], $0x40, s30, s16, $0xb8;
	[tilespmem:$0x15020] =	vst v63  }
0x82: {  	_ =	swait.ge [sflag:s15], $0x1400  }
0x83: {  	[sflag:s15] =	ssyncset.done $0x0  }
0x84: {  	s28 =	sadd.s32 $0x2760, s19;
	[sflag:s15] =	ssyncadd.s32 $0xFFFFEC00  }
0x85: {  	[spmem:s2] =	stream.indirect.scatter.add.f32 [tilespmem:s18], [sflag:$0x6], $0x40, s28, s16, $0xb8;
	[tilespmem:$0x15020] =	vst v63  }
0x86: {  	_ =	swait.ge [sflag:s13], $0x1400  }
0x87: {  	[sflag:s13] =	ssyncset.done $0x0  }
0x88: {  	s29 =	sadd.s32 $0x1E0, s19;
	[sflag:s13] =	ssyncadd.s32 $0xFFFFEC00  }
0x89: {  	[tilespmem:s18], [sflag:$0x2] =	stream.indirect.gather [hbm4b:s4+s16], $0x40, s29, s16, $0xb8;
	[tilespmem:$0x15020] =	vst v63  }
0x8a: {  	_ =	swait.ge [sflag:s24], $0x1400  }
0x8b: {  	[sflag:s24] =	ssyncset.done $0x0  }
0x8c: {  	s30 =	sadd.s32 $0x27B0, s19;
	[sflag:s24] =	ssyncadd.s32 $0xFFFFEC00  }
0x8d: {  	[spmem:s2] =	stream.indirect.scatter.add.f32 [tilespmem:s20], [sflag:$0x6], $0x40, s30, s16, $0xb8;
	[tilespmem:$0x15020] =	vst v63  }
0x8e: {  	_ =	swait.ge [sflag:s13], $0x1400  }
0x8f: {  	[sflag:s13] =	ssyncset.done $0x0  }
0x90: {  	s28 =	sadd.s32 $0x230, s19;
	[sflag:s13] =	ssyncadd.s32 $0xFFFFEC00  }
0x91: {  	[tilespmem:s20], [sflag:$0x3] =	stream.indirect.gather [hbm4b:s4+s16], $0x40, s28, s16, $0xb8;
	[tilespmem:$0x15020] =	vst v63  }
0x92: {  	_ =	swait.ge [sflag:s25], $0x1400  }
0x93: {  	[sflag:s25] =	ssyncset.done $0x0  }
0x94: {  	s29 =	sadd.s32 $0x2800, s19;
	[sflag:s25] =	ssyncadd.s32 $0xFFFFEC00  }
0x95: {  	[spmem:s2] =	stream.indirect.scatter.add.f32 [tilespmem:s22], [sflag:$0x6], $0x40, s29, s16, $0xb8;
	[tilespmem:$0x15020] =	vst v63  }
0x96: {  	_ =	swait.ge [sflag:s13], $0x1400  }
0x97: {  	[sflag:s13] =	ssyncset.done $0x0  }
0x98: {  	s30 =	sadd.s32 $0x280, s19;
	[sflag:s13] =	ssyncadd.s32 $0xFFFFEC00  }
0x99: {  	[tilespmem:s22], [sflag:$0x4] =	stream.indirect.gather [hbm4b:s4+s16], $0x40, s30, s16, $0xb8;
	[tilespmem:$0x15020] =	vst v63  }
0x9a: {  	_ =	swait.ge [sflag:s26], $0x1400  }
0x9b: {  	[sflag:s26] =	ssyncset.done $0x0  }
0x9c: {  	s21 =	sadd.s32 $0x2850, s19;
	[sflag:s26] =	ssyncadd.s32 $0xFFFFEC00  }
0x9d: {  	[spmem:s2] =	stream.indirect.scatter.add.f32 [tilespmem:s23], [sflag:$0x6], $0x40, s21, s16, $0xb8;
	[tilespmem:$0x15020] =	vst v63  }
0x9e: {  	_ =	swait.ge [sflag:s13], $0x1400  }
0x9f: {  	[sflag:s13] =	ssyncset.done $0x0  }
0xa0: {  	s28 =	simm.s32 $0x26C0;
	[sflag:s13] =	ssyncadd.s32 $0xFFFFEC00  }
0xa1: {  	[tilespmem:s23], [sflag:$0x5] =	stream.indirect.gather [hbm4b:s4+s16], $0x40, s28, s16, $0xb8;
	[tilespmem:$0x15020] =	vst v63  }
0xa2: {  	_ =	swait.ge [sflag:s14], $0x1400  }
0xa3: {  	[sflag:s14] =	ssyncset.done $0x0  }
0xa4: {  	s29 =	simm.s32 $0x4C90;
	[sflag:s14] =	ssyncadd.s32 $0xFFFFEC00  }
0xa5: {  	[spmem:s2] =	stream.indirect.scatter.add.f32 [tilespmem:s17], [sflag:$0x6], $0x40, s29, s16, $0xb8;
	[tilespmem:$0x15020] =	vst v63  }
0xa6: {  	_ =	swait.ge [sflag:s13], $0x1400  }
0xa7: {  	[sflag:s13] =	ssyncset.done $0x0  }
0xa8: {  	[sflag:s13] =	ssyncadd.s32 $0xFFFFEC00  }
0xa9: {  	_ =	swait.ge [sflag:s15], $0x1400  }
0xaa: {  	[sflag:s15] =	ssyncset.done $0x0  }
0xab: {  	s30 =	simm.s32 $0x4CE0;
	[sflag:s15] =	ssyncadd.s32 $0xFFFFEC00  }
0xac: {  	[spmem:s2] =	stream.indirect.scatter.add.f32 [tilespmem:s18], [sflag:$0x6], $0x40, s30, s16, $0xb8;
	[tilespmem:$0x15020] =	vst v63  }
0xad: {  	_ =	swait.ge [sflag:s13], $0x1400  }
0xae: {  	[sflag:s13] =	ssyncset.done $0x0  }
0xaf: {  	[sflag:s13] =	ssyncadd.s32 $0xFFFFEC00  }
0xb0: {  	_ =	swait.ge [sflag:s24], $0x1400  }
0xb1: {  	[sflag:s24] =	ssyncset.done $0x0  }
0xb2: {  	[sflag:s24] =	ssyncadd.s32 $0xFFFFEC00  }
0xb3: {  	[spmem:s2] =	stream.indirect.scatter.add.f32 [tilespmem:s20], [sflag:$0x6], $0x40, s31, s16, $0xb8;
	[tilespmem:$0x15020] =	vst v63  }
0xb4: {  	_ =	swait.ge [sflag:s13], $0x1400  }
0xb5: {  	[sflag:s13] =	ssyncset.done $0x0  }
0xb6: {  	[sflag:s13] =	ssyncadd.s32 $0xFFFFEC00  }
0xb7: {  	_ =	swait.ge [sflag:s25], $0x1400  }
0xb8: {  	[sflag:s25] =	ssyncset.done $0x0  }
0xb9: {  	[sflag:s25] =	ssyncadd.s32 $0xFFFFEC00  }
0xba: {  	[spmem:s2] =	stream.indirect.scatter.add.f32 [tilespmem:s22], [sflag:$0x6], $0x40, s1, s16, $0xb8;
	[tilespmem:$0x15020] =	vst v63  }
0xbb: {  	_ =	swait.ge [sflag:s13], $0x1400  }
0xbc: {  	[sflag:s13] =	ssyncset.done $0x0  }
0xbd: {  	[sflag:s13] =	ssyncadd.s32 $0xFFFFEC00  }
0xbe: {  	_ =	swait.ge [sflag:s26], $0x1400  }
0xbf: {  	[sflag:s26] =	ssyncset.done $0x0  }
0xc0: {  	[sflag:s26] =	ssyncadd.s32 $0xFFFFEC00  }
0xc1: {  	[spmem:s2] =	stream.indirect.scatter.add.f32 [tilespmem:s23], [sflag:$0x6], $0x40, s0, s16, $0xb8;
	[tilespmem:$0x15020] =	vst v63  }
0xc2: {  	_ =	swait.ge [sflag:s13], $0x1400  }
0xc3: {  	s11 =	sadd.s32 $0x1, s11;
	[sflag:s13] =	ssyncset.done $0x0  }
0xc4: {  	p0 =	sne.s32 s11, s10;
	[sflag:s13] =	ssyncadd.s32 $0xFFFFEC00  }
.Ltmp1:
0xc5: {  	[bflag:$0x0] =	sbarrier.arrive $0xFFFF;
	(pc) =	sbr.rel @p0 .LBB2_1-.Ltmp1, $4  }
0xc6: {  	[hbm:s9], [sflag:s8] =	dma.local [spmem:s12], $0x13C0  }
0xc7: {  	_ =	swait.ge [sflag:s13], $0x13C0  }
0xc8: {  	[sflag:s13] =	ssyncset.done $0x0  }
0xc9: {  	[sflag:s13] =	ssyncadd.s32 $0xFFFFEC40  }
0xca: {  	_ =	sfence.sel $0x180000  }
0xcb: {  	[bflag:$0x0] =	sbarrier.arrive $0xFFFF  }
0xcc: {  	_ =	strace $0x90000047  }
0xcd: {  	s0 =	stileid.u32;
	[bflag:$0x2] =	sbarrier.arrive $0xFFFF  }
0xce: {  	p0 =	sne.s32 s0, $0x0;
	s0 =	rddreg [dreg:$0x3]  }
0xcf: {  	s0 =	sadd.s32 @!p0 $0x100000, s0  }
0xd0: {  	[sflag:s0] =	ssyncadd.tile.s32 @!p0 $0x1;
	_ =	shalt  }
.Lfunc_end2:
_tile_overlayer_lowered:
.L_overlay_start_2:
0xd1: {  	(tag) =	ssettag $0x2  }
0xd2: {  	s0 =	rddreg [dreg:$0x0];
	s2 =	stileid.u32  }
0xd3: {  	s1 =	rddreg [dreg:$0x1];
	p0 =	sne.s32 s2, $0x0  }
0xd4: {  	s3 =	rddreg [dreg:$0x2];
	[bflag:$0x3] =	sbarrier.arrive $0xFFFF;
	s2 =	simm.s32 @!p0 $0x1C06  }
0xd5: {  	[timem:s3], [sflag:s2] =	dma.local @!p0 [hbm:s0], s1  }
0xd6: {  	s0 =	simm.s32 @!p0 $0x6  }
0xd7: {  	_ =	swait.ge @!p0 [sflag:s0], s1  }
0xd8: {  	s1 =	ssub.s32 @!p0 $0x0, s1;
	[sflag:s0] =	ssyncset.done @!p0 $0x0  }
0xd9: {  	[sflag:s0] =	ssyncadd.s32 @!p0 s1  }
0xda: {  	[bflag:$0x3] =	sbarrier.arrive $0xFFFF  }
0xdb: {  	_ =	shalt  }

</sc_bundles>
